<compile_context>
chip_gen: v7x
topology: tpu7x:2x2x1
jax: 0.10.2.dev20260603
libtpu: 0.0.44.dev20260713+nightly
codegen_flags: <defaults>
</compile_context>

<pallas_src>
import functools

import jax
import jax.numpy as jnp
from jax import lax
from jax.experimental import pallas as pl
from jax.experimental.pallas import tpu as pltpu
from jax.experimental.pallas import tpu_sc as plsc

N_NODES = 10000
N_EDGES = 320000
D = 128
CW = 16
NC = 2
NS = 16
NW = NC * NS
CHUNK = 125
EDGES_PER_TILE = N_EDGES // NW
CHUNKS_PER_TILE = EDGES_PER_TILE // CHUNK
N_PAD = 10240
ROWS_PER_TILE = N_PAD // NS


def _sc_aggregate(x, edges4):
    mesh = plsc.VectorSubcoreMesh(core_axis_name="c", subcore_axis_name="s")

    @functools.partial(
        pl.kernel,
        out_type=(
            jax.ShapeDtypeStruct((NC * N_PAD, D), jnp.float32),
            jax.ShapeDtypeStruct((NC * N_PAD, CW), jnp.float32),
        ),
        mesh=mesh,
        scratch_types=[
            pltpu.VMEM((2, CHUNK), jnp.int32),
            pltpu.VMEM((2, CHUNK), jnp.int32),
            pltpu.VMEM((2, CHUNK), jnp.int32),
            pltpu.VMEM((2, CHUNK), jnp.int32),
            pltpu.VMEM((CHUNK, D), jnp.float32),
            pltpu.VMEM((CHUNK, D), jnp.float32),
            pltpu.VMEM((CHUNK, CW), jnp.float32),
            pltpu.VMEM((128, CW), jnp.float32),
            pltpu.VMEM_SHARED((N_PAD, D), jnp.float32),
            pltpu.VMEM_SHARED((N_PAD, CW), jnp.float32),
            pltpu.SemaphoreType.DMA,
            pltpu.SemaphoreType.DMA,
            pltpu.SemaphoreType.DMA,
            pltpu.SemaphoreType.DMA,
            pltpu.SemaphoreType.DMA,
            pltpu.SemaphoreType.DMA,
        ],
        compiler_params=pltpu.CompilerParams(use_tc_tiling_on_sc=False),
    )
    def body(x_hbm, edges_hbm, feat_hbm, cnt_hbm,
             ib0, ib1, ib2, ib3, rows0, rows1, ones_v, zc,
             acc_sh, cnt_sh, sem_i0, sem_i1, sem_r0, sem_r1, sem_s0, sem_s1):
        ib = (ib0, ib1, ib2, ib3)
        rows = (rows0, rows1)
        sem_i = (sem_i0, sem_i1)
        sem_r = (sem_r0, sem_r1)
        sem_s = (sem_s0, sem_s1)
        c = lax.axis_index("c")
        s = lax.axis_index("s")
        w = c * NS + s
        exy = edges_hbm.at[w]

        zero16 = jnp.zeros((16,), jnp.float32)
        one16 = jnp.ones((16,), jnp.float32)

        def fill_row(i, carry):
            for k in range(D // 16):
                rows0[i, pl.ds(k * 16, 16)] = zero16
            ones_v[i, pl.ds(0, CW)] = one16
            return carry

        lax.fori_loop(0, CHUNK, fill_row, 0)

        def fill_zc(i, carry):
            zc[i, pl.ds(0, CW)] = zero16
            return carry

        lax.fori_loop(0, 128, fill_zc, 0)

        base = s * ROWS_PER_TILE
        full, rem = divmod(ROWS_PER_TILE, CHUNK)
        for k in range(full):
            pltpu.sync_copy(rows0, acc_sh.at[pl.ds(base + k * CHUNK, CHUNK)])
        if rem:
            pltpu.sync_copy(rows0.at[pl.ds(0, rem)],
                            acc_sh.at[pl.ds(base + full * CHUNK, rem)])
        for k in range(ROWS_PER_TILE // 128):
            pltpu.sync_copy(zc, cnt_sh.at[pl.ds(base + k * 128, 128)])
        plsc.subcore_barrier()

        pltpu.sync_copy(exy.at[0], ib[0])
        pltpu.async_copy(exy.at[1], ib[1], sem_i[1])
        pltpu.async_copy(exy.at[2], ib[2], sem_i[0])
        pltpu.async_copy(x_hbm.at[ib[0].at[0]], rows[0], sem_r[0])

        def quad(t, carry):
            for k in range(4):
                j = 4 * t + k
                p = k % 2
                sl = ib[k]
                pltpu.make_async_copy(x_hbm.at[sl.at[0]], rows[p], sem_r[p]).wait()

                def wait_prev_scatters():
                    prev = ib[(k - 1) % 4]
                    pltpu.make_async_copy(rows[1 - p], acc_sh.at[prev.at[1]],
                                          sem_s[1 - p]).wait()
                    pltpu.make_async_copy(ones_v, cnt_sh.at[prev.at[1]],
                                          sem_s[1 - p]).wait()

                if k == 0:
                    pl.when(t > 0)(wait_prev_scatters)
                else:
                    wait_prev_scatters()

                def issue_next_gather():
                    nxt = ib[(k + 1) % 4]
                    pltpu.make_async_copy(exy.at[j], nxt, sem_i[(k + 1) % 2]).wait()
                    pltpu.async_copy(x_hbm.at[nxt.at[0]], rows[1 - p], sem_r[1 - p])

                if k == 3:
                    pl.when(t < CHUNKS_PER_TILE // 4 - 1)(issue_next_gather)
                else:
                    issue_next_gather()

                pltpu.async_copy(rows[p], acc_sh.at[sl.at[1]], sem_s[p], add=True)
                pltpu.async_copy(ones_v, cnt_sh.at[sl.at[1]], sem_s[p], add=True)

                def prefetch_idx():
                    pltpu.async_copy(exy.at[j + 3], ib[(k + 3) % 4],
                                     sem_i[(k + 3) % 2])

                if k == 0:
                    prefetch_idx()
                else:
                    pl.when(t < CHUNKS_PER_TILE // 4 - 1)(prefetch_idx)
            return carry

        lax.fori_loop(0, CHUNKS_PER_TILE // 4, quad, 0)
        pltpu.make_async_copy(rows[1], acc_sh.at[ib[3].at[1]], sem_s[1]).wait()
        pltpu.make_async_copy(ones_v, cnt_sh.at[ib[3].at[1]], sem_s[1]).wait()
        plsc.subcore_barrier()

        pltpu.sync_copy(acc_sh.at[pl.ds(base, ROWS_PER_TILE)],
                        feat_hbm.at[pl.ds(c * N_PAD + base, ROWS_PER_TILE)])
        pltpu.sync_copy(cnt_sh.at[pl.ds(base, ROWS_PER_TILE)],
                        cnt_hbm.at[pl.ds(c * N_PAD + base, ROWS_PER_TILE)])

    return body(x, edges4)


def _tc_self(x, W_self, b):
    R = 1000

    def body(x_ref, ws_ref, b_ref, o_ref):
        o_ref[...] = (
            jnp.dot(x_ref[...], ws_ref[...], preferred_element_type=jnp.float32)
            + b_ref[...]
        )

    return pl.pallas_call(
        body,
        grid=(N_NODES // R,),
        in_specs=[
            pl.BlockSpec((R, D), lambda i: (i, 0)),
            pl.BlockSpec((D, D), lambda i: (0, 0)),
            pl.BlockSpec((1, D), lambda i: (0, 0)),
        ],
        out_specs=pl.BlockSpec((R, D), lambda i: (i, 0)),
        out_shape=jax.ShapeDtypeStruct((N_NODES, D), jnp.float32),
    )(x, W_self, b.reshape(1, D))


def _tc_combine(z, feats, cnts, W_neigh):
    R = 1000

    def body(z_ref, p_ref, c_ref, wn_ref, o_ref):
        p = p_ref[...]
        cc = c_ref[...]
        agg = p[0] + p[1]
        cnt = cc[0, :, 0:1] + cc[1, :, 0:1]
        mean = agg / jnp.maximum(cnt, 1.0)
        o_ref[...] = (
            z_ref[...]
            + jnp.dot(mean, wn_ref[...], preferred_element_type=jnp.float32)
        )

    return pl.pallas_call(
        body,
        grid=(N_NODES // R,),
        in_specs=[
            pl.BlockSpec((R, D), lambda i: (i, 0)),
            pl.BlockSpec((NC, R, D), lambda i: (0, i, 0)),
            pl.BlockSpec((NC, R, CW), lambda i: (0, i, 0)),
            pl.BlockSpec((D, D), lambda i: (0, 0)),
        ],
        out_specs=pl.BlockSpec((R, D), lambda i: (i, 0)),
        out_shape=jax.ShapeDtypeStruct((N_NODES, D), jnp.float32),
    )(z, feats, cnts, W_neigh)


def kernel(x, edge_index, W_self, W_neigh, b):
    edges4 = edge_index.reshape(2, NW, CHUNKS_PER_TILE, CHUNK).transpose(1, 2, 0, 3)
    feats, cnts = _sc_aggregate(x, edges4)
    z = _tc_self(x, W_self, b)
    feats = feats.reshape(NC, N_PAD, D)
    cnts = cnts.reshape(NC, N_PAD, CW)
    return _tc_combine(z, feats, cnts, W_neigh)

# --- scband reference (transcript-rebuilt; emitter-appended) ---
"""Pipeline reference for scband-sage-63376537419796 (READ-ONLY COPY).

The authoritative reference and input builder live on the scoring server;
editing this copy changes nothing except your own understanding.
"""

import jax, jax.numpy as jnp
import numpy as np

N = 10000
E = 320000
D = 128

def setup_inputs(seed: int = 0) -> dict:
    key = jax.random.key(seed)
    k1, k2, k3, k4, k5 = jax.random.split(key, 5)
    x = jax.random.normal(k1, (N, D), dtype=jnp.float32)
    edge_index = jax.random.randint(k2, (2, E), 0, N, dtype=jnp.int32)
    scale = 1.0 / np.sqrt(D)
    W_self = jax.random.normal(k3, (D, D), dtype=jnp.float32) * scale
    W_neigh = jax.random.normal(k4, (D, D), dtype=jnp.float32) * scale
    b = jax.random.normal(k5, (D,), dtype=jnp.float32) * 0.01
    return {"x": x, "edge_index": edge_index, "W_self": W_self, "W_neigh": W_neigh, "b": b}

def reference(x, edge_index, W_self, W_neigh, b):
    # GraphSAGE with mean aggregation:
    #   h_i = x_i @ W_self + mean_{j in N(i)} x_j @ W_neigh + b
    src = edge_index[0]
    dst = edge_index[1]
    msgs = jnp.take(x, src, axis=0)                      # gather   [E, D]
    agg = jax.ops.segment_sum(msgs, dst, num_segments=N) # scatter-add [N, D]
    ones = jnp.ones((E, 1), dtype=x.dtype)
    cnt = jax.ops.segment_sum(ones, dst, num_segments=N) # in-degree [N, 1]
    mean = agg / jnp.maximum(cnt, 1.0)
    out = x @ W_self + mean @ W_neigh + b
    return out

if __name__ == "__main__":
    import jax
    _d = setup_inputs()
    print(jax.jit(kernel)(*tuple(_d.values())))

</pallas_src>

<mosaic_0001>
#map = affine_map<(d0, d1) -> (0, 0)>
#map1 = affine_map<(d0, d1) -> (0, 0, 0, 0)>
module attributes {stable_mosaic.version = 14 : i64} {
  func.func @body(%arg0: i32, %arg1: i32, %arg2: memref<10000x128xf32, #tpu.memory_space<hbm>>, %arg3: memref<32x80x2x125xi32, #tpu.memory_space<hbm>>, %arg4: memref<20480x128xf32, #tpu.memory_space<hbm>>, %arg5: memref<20480x16xf32, #tpu.memory_space<hbm>>, %arg6: memref<2x125xi32, #tpu.memory_space<vmem>>, %arg7: memref<2x125xi32, #tpu.memory_space<vmem>>, %arg8: memref<2x125xi32, #tpu.memory_space<vmem>>, %arg9: memref<2x125xi32, #tpu.memory_space<vmem>>, %arg10: memref<125x128xf32, #tpu.memory_space<vmem>>, %arg11: memref<125x128xf32, #tpu.memory_space<vmem>>, %arg12: memref<125x16xf32, #tpu.memory_space<vmem>>, %arg13: memref<128x16xf32, #tpu.memory_space<vmem>>, %arg14: memref<10240x128xf32, #tpu.memory_space<vmem_shared>>, %arg15: memref<10240x16xf32, #tpu.memory_space<vmem_shared>>, %arg16: memref<!tpu.dma_semaphore, #tpu.memory_space<semaphore_mem>>, %arg17: memref<!tpu.dma_semaphore, #tpu.memory_space<semaphore_mem>>, %arg18: memref<!tpu.dma_semaphore, #tpu.memory_space<semaphore_mem>>, %arg19: memref<!tpu.dma_semaphore, #tpu.memory_space<semaphore_mem>>, %arg20: memref<!tpu.dma_semaphore, #tpu.memory_space<semaphore_mem>>, %arg21: memref<!tpu.dma_semaphore, #tpu.memory_space<semaphore_mem>>) attributes {dimension_semantics = [#tpu.dimension_semantics<core_parallel>, #tpu.dimension_semantics<subcore_parallel>], iteration_bounds = array<i64: 2, 16>, scalar_prefetch = 0 : i64, scratch_operands = 16 : i64, tpu.core_type = #tpu.core_type<sc_vector_subcore>, window_params = [{transform_indices = #map}, {transform_indices = #map1}, {transform_indices = #map}, {transform_indices = #map}]} {
    %mul3A = arith.constant 16 : i32
    %mul3A_0 = arith.muli %arg0, %mul3A : i32
    %add3A = arith.addi %mul3A_0, %arg1 : i32
    %broadcast_in_dim3A = arith.constant 0.000000e+00 : f32
    %broadcast_in_dim3A_1 = vector.broadcast %broadcast_in_dim3A : f32 to vector<16xf32>
    %broadcast_in_dim3A_2 = arith.constant 1.000000e+00 : f32
    %broadcast_in_dim3A_3 = vector.broadcast %broadcast_in_dim3A_2 : f32 to vector<16xf32>
    %scan3A = arith.constant 0 : i32
    %scan3A_4 = arith.constant 0 : i32
    %scan3A_5 = arith.constant 125 : i32
    %scan3A_6 = arith.addi %scan3A_4, %scan3A_5 : i32
    %scan3A_7 = arith.constant 1 : i32
    scf.for %scan3A_109 = %scan3A_4 to %scan3A_6 step %scan3A_7  : i32 {
      %swap3A = arith.index_cast %scan3A_109 : i32 to index
      %swap3A_110 = arith.constant 0 : index
      %swap3A_111 = tpu.vector_load %arg10[%swap3A, %swap3A_110] {strides = array<i32>} : memref<125x128xf32, #tpu.memory_space<vmem>>, vector<1x16xf32>,
      %swap3A_112 = vector.shape_cast %swap3A_111 : vector<1x16xf32> to vector<16xf32>
      %swap3A_113 = vector.shape_cast %broadcast_in_dim3A_1 : vector<16xf32> to vector<1x16xf32>
      tpu.vector_store %arg10[%swap3A, %swap3A_110], %swap3A_113 {strides = array<i32>} : memref<125x128xf32, #tpu.memory_space<vmem>>, vector<1x16xf32>,
      %swap3A_114 = arith.index_cast %scan3A_109 : i32 to index
      %swap3A_115 = arith.constant 16 : index
      %swap3A_116 = tpu.vector_load %arg10[%swap3A_114, %swap3A_115] {strides = array<i32>} : memref<125x128xf32, #tpu.memory_space<vmem>>, vector<1x16xf32>,
      %swap3A_117 = vector.shape_cast %swap3A_116 : vector<1x16xf32> to vector<16xf32>
      %swap3A_118 = vector.shape_cast %broadcast_in_dim3A_1 : vector<16xf32> to vector<1x16xf32>
      tpu.vector_store %arg10[%swap3A_114, %swap3A_115], %swap3A_118 {strides = array<i32>} : memref<125x128xf32, #tpu.memory_space<vmem>>, vector<1x16xf32>,
      %swap3A_119 = arith.index_cast %scan3A_109 : i32 to index
      %swap3A_120 = arith.constant 32 : index
      %swap3A_121 = tpu.vector_load %arg10[%swap3A_119, %swap3A_120] {strides = array<i32>} : memref<125x128xf32, #tpu.memory_space<vmem>>, vector<1x16xf32>,
      %swap3A_122 = vector.shape_cast %swap3A_121 : vector<1x16xf32> to vector<16xf32>
      %swap3A_123 = vector.shape_cast %broadcast_in_dim3A_1 : vector<16xf32> to vector<1x16xf32>
      tpu.vector_store %arg10[%swap3A_119, %swap3A_120], %swap3A_123 {strides = array<i32>} : memref<125x128xf32, #tpu.memory_space<vmem>>, vector<1x16xf32>,
      %swap3A_124 = arith.index_cast %scan3A_109 : i32 to index
      %swap3A_125 = arith.constant 48 : index
      %swap3A_126 = tpu.vector_load %arg10[%swap3A_124, %swap3A_125] {strides = array<i32>} : memref<125x128xf32, #tpu.memory_space<vmem>>, vector<1x16xf32>,
      %swap3A_127 = vector.shape_cast %swap3A_126 : vector<1x16xf32> to vector<16xf32>
      %swap3A_128 = vector.shape_cast %broadcast_in_dim3A_1 : vector<16xf32> to vector<1x16xf32>
      tpu.vector_store %arg10[%swap3A_124, %swap3A_125], %swap3A_128 {strides = array<i32>} : memref<125x128xf32, #tpu.memory_space<vmem>>, vector<1x16xf32>,
      %swap3A_129 = arith.index_cast %scan3A_109 : i32 to index
      %swap3A_130 = arith.constant 64 : index
      %swap3A_131 = tpu.vector_load %arg10[%swap3A_129, %swap3A_130] {strides = array<i32>} : memref<125x128xf32, #tpu.memory_space<vmem>>, vector<1x16xf32>,
      %swap3A_132 = vector.shape_cast %swap3A_131 : vector<1x16xf32> to vector<16xf32>
      %swap3A_133 = vector.shape_cast %broadcast_in_dim3A_1 : vector<16xf32> to vector<1x16xf32>
      tpu.vector_store %arg10[%swap3A_129, %swap3A_130], %swap3A_133 {strides = array<i32>} : memref<125x128xf32, #tpu.memory_space<vmem>>, vector<1x16xf32>,
      %swap3A_134 = arith.index_cast %scan3A_109 : i32 to index
      %swap3A_135 = arith.constant 80 : index
      %swap3A_136 = tpu.vector_load %arg10[%swap3A_134, %swap3A_135] {strides = array<i32>} : memref<125x128xf32, #tpu.memory_space<vmem>>, vector<1x16xf32>,
      %swap3A_137 = vector.shape_cast %swap3A_136 : vector<1x16xf32> to vector<16xf32>
      %swap3A_138 = vector.shape_cast %broadcast_in_dim3A_1 : vector<16xf32> to vector<1x16xf32>
      tpu.vector_store %arg10[%swap3A_134, %swap3A_135], %swap3A_138 {strides = array<i32>} : memref<125x128xf32, #tpu.memory_space<vmem>>, vector<1x16xf32>,
      %swap3A_139 = arith.index_cast %scan3A_109 : i32 to index
      %swap3A_140 = arith.constant 96 : index
      %swap3A_141 = tpu.vector_load %arg10[%swap3A_139, %swap3A_140] {strides = array<i32>} : memref<125x128xf32, #tpu.memory_space<vmem>>, vector<1x16xf32>,
      %swap3A_142 = vector.shape_cast %swap3A_141 : vector<1x16xf32> to vector<16xf32>
      %swap3A_143 = vector.shape_cast %broadcast_in_dim3A_1 : vector<16xf32> to vector<1x16xf32>
      tpu.vector_store %arg10[%swap3A_139, %swap3A_140], %swap3A_143 {strides = array<i32>} : memref<125x128xf32, #tpu.memory_space<vmem>>, vector<1x16xf32>,
      %swap3A_144 = arith.index_cast %scan3A_109 : i32 to index
      %swap3A_145 = arith.constant 112 : index
      %swap3A_146 = tpu.vector_load %arg10[%swap3A_144, %swap3A_145] {strides = array<i32>} : memref<125x128xf32, #tpu.memory_space<vmem>>, vector<1x16xf32>,
      %swap3A_147 = vector.shape_cast %swap3A_146 : vector<1x16xf32> to vector<16xf32>
      %swap3A_148 = vector.shape_cast %broadcast_in_dim3A_1 : vector<16xf32> to vector<1x16xf32>
      tpu.vector_store %arg10[%swap3A_144, %swap3A_145], %swap3A_148 {strides = array<i32>} : memref<125x128xf32, #tpu.memory_space<vmem>>, vector<1x16xf32>,
      %swap3A_149 = arith.index_cast %scan3A_109 : i32 to index
      %swap3A_150 = arith.constant 0 : index
      %swap3A_151 = tpu.vector_load %arg12[%swap3A_149, %swap3A_150] {strides = array<i32>} : memref<125x16xf32, #tpu.memory_space<vmem>>, vector<1x16xf32>,
      %swap3A_152 = vector.shape_cast %swap3A_151 : vector<1x16xf32> to vector<16xf32>
      %swap3A_153 = vector.shape_cast %broadcast_in_dim3A_3 : vector<16xf32> to vector<1x16xf32>
      tpu.vector_store %arg12[%swap3A_149, %swap3A_150], %swap3A_153 {strides = array<i32>} : memref<125x16xf32, #tpu.memory_space<vmem>>, vector<1x16xf32>,
    }
    %scan3A_8 = arith.constant 125 : i32
    %scan3A_9 = arith.constant 0 : i32
    %scan3A_10 = arith.constant 0 : i32
    %scan3A_11 = arith.constant 128 : i32
    %scan3A_12 = arith.addi %scan3A_10, %scan3A_11 : i32
    %scan3A_13 = arith.constant 1 : i32
    scf.for %scan3A_109 = %scan3A_10 to %scan3A_12 step %scan3A_13  : i32 {
      %swap3A = arith.index_cast %scan3A_109 : i32 to index
      %swap3A_110 = arith.constant 0 : index
      %swap3A_111 = tpu.vector_load %arg13[%swap3A, %swap3A_110] {strides = array<i32>} : memref<128x16xf32, #tpu.memory_space<vmem>>, vector<1x16xf32>,
      %swap3A_112 = vector.shape_cast %swap3A_111 : vector<1x16xf32> to vector<16xf32>
      %swap3A_113 = vector.shape_cast %broadcast_in_dim3A_1 : vector<16xf32> to vector<1x16xf32>
      tpu.vector_store %arg13[%swap3A, %swap3A_110], %swap3A_113 {strides = array<i32>} : memref<128x16xf32, #tpu.memory_space<vmem>>, vector<1x16xf32>,
    }
    %scan3A_14 = arith.constant 128 : i32
    %mul3A_15 = arith.constant 640 : i32
    %mul3A_16 = arith.muli %arg1, %mul3A_15 : i32
    %add3A_17 = arith.constant 0 : i32
    %add3A_18 = arith.addi %mul3A_16, %add3A_17 : i32
    "tpu.region"() ({
      %run_scoped3A_109 = tpu.sem_alloc : memref<!tpu.dma_semaphore, #tpu.memory_space<semaphore_mem>>
      %dma_start3A_110 = arith.constant 0 : i32
      %dma_start3A_111 = tpu.memref_slice %arg14[%add3A_18, %dma_start3A_110] : memref<10240x128xf32, #tpu.memory_space<vmem_shared>> -> memref<125x128xf32, #tpu.memory_space<vmem_shared>>
      %dma_start3A_112 = arith.constant 0 : i32
      %dma_start3A_113 = tpu.memref_slice %arg14[%add3A_18, %dma_start3A_112] : memref<10240x128xf32, #tpu.memory_space<vmem_shared>> -> memref<125x128xf32, #tpu.memory_space<vmem_shared>>
      tpu.enqueue_dma source(%arg10 : memref<125x128xf32, #tpu.memory_space<vmem>>) target(%dma_start3A_113 : memref<125x128xf32, #tpu.memory_space<vmem_shared>>) target_semaphore(%run_scoped3A_109 : memref<!tpu.dma_semaphore, #tpu.memory_space<semaphore_mem>>)
      %dma_wait3A_114 = arith.constant 0 : i32
      %dma_wait3A_115 = tpu.memref_slice %arg14[%add3A_18, %dma_wait3A_114] : memref<10240x128xf32, #tpu.memory_space<vmem_shared>> -> memref<125x128xf32, #tpu.memory_space<vmem_shared>>
      %dma_wait3A_116 = arith.constant 0 : i32
      %dma_wait3A_117 = tpu.memref_slice %arg14[%add3A_18, %dma_wait3A_116] : memref<10240x128xf32, #tpu.memory_space<vmem_shared>> -> memref<125x128xf32, #tpu.memory_space<vmem_shared>>
      tpu.wait_dma2 semaphore(%run_scoped3A_109 : memref<!tpu.dma_semaphore, #tpu.memory_space<semaphore_mem>>) src(%arg10 : memref<125x128xf32, #tpu.memory_space<vmem>>) dst(%dma_wait3A_117 : memref<125x128xf32, #tpu.memory_space<vmem_shared>>)
      tpu.yield
    }) : () -> ()
    %add3A_19 = arith.constant 125 : i32
    %add3A_20 = arith.addi %mul3A_16, %add3A_19 : i32
    "tpu.region"() ({
      %run_scoped3A_109 = tpu.sem_alloc : memref<!tpu.dma_semaphore, #tpu.memory_space<semaphore_mem>>
      %dma_start3A_110 = arith.constant 0 : i32
      %dma_start3A_111 = tpu.memref_slice %arg14[%add3A_20, %dma_start3A_110] : memref<10240x128xf32, #tpu.memory_space<vmem_shared>> -> memref<125x128xf32, #tpu.memory_space<vmem_shared>>
      %dma_start3A_112 = arith.constant 0 : i32
      %dma_start3A_113 = tpu.memref_slice %arg14[%add3A_20, %dma_start3A_112] : memref<10240x128xf32, #tpu.memory_space<vmem_shared>> -> memref<125x128xf32, #tpu.memory_space<vmem_shared>>
      tpu.enqueue_dma source(%arg10 : memref<125x128xf32, #tpu.memory_space<vmem>>) target(%dma_start3A_113 : memref<125x128xf32, #tpu.memory_space<vmem_shared>>) target_semaphore(%run_scoped3A_109 : memref<!tpu.dma_semaphore, #tpu.memory_space<semaphore_mem>>)
      %dma_wait3A_114 = arith.constant 0 : i32
      %dma_wait3A_115 = tpu.memref_slice %arg14[%add3A_20, %dma_wait3A_114] : memref<10240x128xf32, #tpu.memory_space<vmem_shared>> -> memref<125x128xf32, #tpu.memory_space<vmem_shared>>
      %dma_wait3A_116 = arith.constant 0 : i32
      %dma_wait3A_117 = tpu.memref_slice %arg14[%add3A_20, %dma_wait3A_116] : memref<10240x128xf32, #tpu.memory_space<vmem_shared>> -> memref<125x128xf32, #tpu.memory_space<vmem_shared>>
      tpu.wait_dma2 semaphore(%run_scoped3A_109 : memref<!tpu.dma_semaphore, #tpu.memory_space<semaphore_mem>>) src(%arg10 : memref<125x128xf32, #tpu.memory_space<vmem>>) dst(%dma_wait3A_117 : memref<125x128xf32, #tpu.memory_space<vmem_shared>>)
      tpu.yield
    }) : () -> ()
    %add3A_21 = arith.constant 250 : i32
    %add3A_22 = arith.addi %mul3A_16, %add3A_21 : i32
    "tpu.region"() ({
      %run_scoped3A_109 = tpu.sem_alloc : memref<!tpu.dma_semaphore, #tpu.memory_space<semaphore_mem>>
      %dma_start3A_110 = arith.constant 0 : i32
      %dma_start3A_111 = tpu.memref_slice %arg14[%add3A_22, %dma_start3A_110] : memref<10240x128xf32, #tpu.memory_space<vmem_shared>> -> memref<125x128xf32, #tpu.memory_space<vmem_shared>>
      %dma_start3A_112 = arith.constant 0 : i32
      %dma_start3A_113 = tpu.memref_slice %arg14[%add3A_22, %dma_start3A_112] : memref<10240x128xf32, #tpu.memory_space<vmem_shared>> -> memref<125x128xf32, #tpu.memory_space<vmem_shared>>
      tpu.enqueue_dma source(%arg10 : memref<125x128xf32, #tpu.memory_space<vmem>>) target(%dma_start3A_113 : memref<125x128xf32, #tpu.memory_space<vmem_shared>>) target_semaphore(%run_scoped3A_109 : memref<!tpu.dma_semaphore, #tpu.memory_space<semaphore_mem>>)
      %dma_wait3A_114 = arith.constant 0 : i32
      %dma_wait3A_115 = tpu.memref_slice %arg14[%add3A_22, %dma_wait3A_114] : memref<10240x128xf32, #tpu.memory_space<vmem_shared>> -> memref<125x128xf32, #tpu.memory_space<vmem_shared>>
      %dma_wait3A_116 = arith.constant 0 : i32
      %dma_wait3A_117 = tpu.memref_slice %arg14[%add3A_22, %dma_wait3A_116] : memref<10240x128xf32, #tpu.memory_space<vmem_shared>> -> memref<125x128xf32, #tpu.memory_space<vmem_shared>>
      tpu.wait_dma2 semaphore(%run_scoped3A_109 : memref<!tpu.dma_semaphore, #tpu.memory_space<semaphore_mem>>) src(%arg10 : memref<125x128xf32, #tpu.memory_space<vmem>>) dst(%dma_wait3A_117 : memref<125x128xf32, #tpu.memory_space<vmem_shared>>)
      tpu.yield
    }) : () -> ()
    %add3A_23 = arith.constant 375 : i32
    %add3A_24 = arith.addi %mul3A_16, %add3A_23 : i32
    "tpu.region"() ({
      %run_scoped3A_109 = tpu.sem_alloc : memref<!tpu.dma_semaphore, #tpu.memory_space<semaphore_mem>>
      %dma_start3A_110 = arith.constant 0 : i32
      %dma_start3A_111 = tpu.memref_slice %arg14[%add3A_24, %dma_start3A_110] : memref<10240x128xf32, #tpu.memory_space<vmem_shared>> -> memref<125x128xf32, #tpu.memory_space<vmem_shared>>
      %dma_start3A_112 = arith.constant 0 : i32
      %dma_start3A_113 = tpu.memref_slice %arg14[%add3A_24, %dma_start3A_112] : memref<10240x128xf32, #tpu.memory_space<vmem_shared>> -> memref<125x128xf32, #tpu.memory_space<vmem_shared>>
      tpu.enqueue_dma source(%arg10 : memref<125x128xf32, #tpu.memory_space<vmem>>) target(%dma_start3A_113 : memref<125x128xf32, #tpu.memory_space<vmem_shared>>) target_semaphore(%run_scoped3A_109 : memref<!tpu.dma_semaphore, #tpu.memory_space<semaphore_mem>>)
      %dma_wait3A_114 = arith.constant 0 : i32
      %dma_wait3A_115 = tpu.memref_slice %arg14[%add3A_24, %dma_wait3A_114] : memref<10240x128xf32, #tpu.memory_space<vmem_shared>> -> memref<125x128xf32, #tpu.memory_space<vmem_shared>>
      %dma_wait3A_116 = arith.constant 0 : i32
      %dma_wait3A_117 = tpu.memref_slice %arg14[%add3A_24, %dma_wait3A_116] : memref<10240x128xf32, #tpu.memory_space<vmem_shared>> -> memref<125x128xf32, #tpu.memory_space<vmem_shared>>
      tpu.wait_dma2 semaphore(%run_scoped3A_109 : memref<!tpu.dma_semaphore, #tpu.memory_space<semaphore_mem>>) src(%arg10 : memref<125x128xf32, #tpu.memory_space<vmem>>) dst(%dma_wait3A_117 : memref<125x128xf32, #tpu.memory_space<vmem_shared>>)
      tpu.yield
    }) : () -> ()
    %add3A_25 = arith.constant 500 : i32
    %add3A_26 = arith.addi %mul3A_16, %add3A_25 : i32
    "tpu.region"() ({
      %run_scoped3A_109 = tpu.sem_alloc : memref<!tpu.dma_semaphore, #tpu.memory_space<semaphore_mem>>
      %dma_start3A_110 = arith.constant 0 : i32
      %dma_start3A_111 = tpu.memref_slice %arg14[%add3A_26, %dma_start3A_110] : memref<10240x128xf32, #tpu.memory_space<vmem_shared>> -> memref<125x128xf32, #tpu.memory_space<vmem_shared>>
      %dma_start3A_112 = arith.constant 0 : i32
      %dma_start3A_113 = tpu.memref_slice %arg14[%add3A_26, %dma_start3A_112] : memref<10240x128xf32, #tpu.memory_space<vmem_shared>> -> memref<125x128xf32, #tpu.memory_space<vmem_shared>>
      tpu.enqueue_dma source(%arg10 : memref<125x128xf32, #tpu.memory_space<vmem>>) target(%dma_start3A_113 : memref<125x128xf32, #tpu.memory_space<vmem_shared>>) target_semaphore(%run_scoped3A_109 : memref<!tpu.dma_semaphore, #tpu.memory_space<semaphore_mem>>)
      %dma_wait3A_114 = arith.constant 0 : i32
      %dma_wait3A_115 = tpu.memref_slice %arg14[%add3A_26, %dma_wait3A_114] : memref<10240x128xf32, #tpu.memory_space<vmem_shared>> -> memref<125x128xf32, #tpu.memory_space<vmem_shared>>
      %dma_wait3A_116 = arith.constant 0 : i32
      %dma_wait3A_117 = tpu.memref_slice %arg14[%add3A_26, %dma_wait3A_116] : memref<10240x128xf32, #tpu.memory_space<vmem_shared>> -> memref<125x128xf32, #tpu.memory_space<vmem_shared>>
      tpu.wait_dma2 semaphore(%run_scoped3A_109 : memref<!tpu.dma_semaphore, #tpu.memory_space<semaphore_mem>>) src(%arg10 : memref<125x128xf32, #tpu.memory_space<vmem>>) dst(%dma_wait3A_117 : memref<125x128xf32, #tpu.memory_space<vmem_shared>>)
      tpu.yield
    }) : () -> ()
    %add3A_27 = arith.constant 625 : i32
    %add3A_28 = arith.addi %mul3A_16, %add3A_27 : i32
    "tpu.region"() ({
      %run_scoped3A_109 = tpu.sem_alloc : memref<!tpu.dma_semaphore, #tpu.memory_space<semaphore_mem>>
      %dma_start3A_110 = arith.constant 0 : i32
      %dma_start3A_111 = arith.constant 0 : i32
      %dma_start3A_112 = tpu.memref_slice %arg10[%dma_start3A_110, %dma_start3A_111] : memref<125x128xf32, #tpu.memory_space<vmem>> -> memref<15x128xf32, #tpu.memory_space<vmem>>
      %dma_start3A_113 = arith.constant 0 : i32
      %dma_start3A_114 = tpu.memref_slice %arg14[%add3A_28, %dma_start3A_113] : memref<10240x128xf32, #tpu.memory_space<vmem_shared>> -> memref<15x128xf32, #tpu.memory_space<vmem_shared>>
      %dma_start3A_115 = arith.constant 0 : i32
      %dma_start3A_116 = tpu.memref_slice %arg14[%add3A_28, %dma_start3A_115] : memref<10240x128xf32, #tpu.memory_space<vmem_shared>> -> memref<15x128xf32, #tpu.memory_space<vmem_shared>>
      %dma_start3A_117 = arith.constant 0 : i32
      %dma_start3A_118 = arith.constant 0 : i32
      %dma_start3A_119 = tpu.memref_slice %arg10[%dma_start3A_117, %dma_start3A_118] : memref<125x128xf32, #tpu.memory_space<vmem>> -> memref<15x128xf32, #tpu.memory_space<vmem>>
      tpu.enqueue_dma source(%dma_start3A_119 : memref<15x128xf32, #tpu.memory_space<vmem>>) target(%dma_start3A_116 : memref<15x128xf32, #tpu.memory_space<vmem_shared>>) target_semaphore(%run_scoped3A_109 : memref<!tpu.dma_semaphore, #tpu.memory_space<semaphore_mem>>)
      %dma_wait3A_120 = arith.constant 0 : i32
      %dma_wait3A_121 = arith.constant 0 : i32
      %dma_wait3A_122 = tpu.memref_slice %arg10[%dma_wait3A_120, %dma_wait3A_121] : memref<125x128xf32, #tpu.memory_space<vmem>> -> memref<15x128xf32, #tpu.memory_space<vmem>>
      %dma_wait3A_123 = arith.constant 0 : i32
      %dma_wait3A_124 = tpu.memref_slice %arg14[%add3A_28, %dma_wait3A_123] : memref<10240x128xf32, #tpu.memory_space<vmem_shared>> -> memref<15x128xf32, #tpu.memory_space<vmem_shared>>
      %dma_wait3A_125 = arith.constant 0 : i32
      %dma_wait3A_126 = tpu.memref_slice %arg14[%add3A_28, %dma_wait3A_125] : memref<10240x128xf32, #tpu.memory_space<vmem_shared>> -> memref<15x128xf32, #tpu.memory_space<vmem_shared>>
      %dma_wait3A_127 = arith.constant 0 : i32
      %dma_wait3A_128 = arith.constant 0 : i32
      %dma_wait3A_129 = tpu.memref_slice %arg10[%dma_wait3A_127, %dma_wait3A_128] : memref<125x128xf32, #tpu.memory_space<vmem>> -> memref<15x128xf32, #tpu.memory_space<vmem>>
      tpu.wait_dma2 semaphore(%run_scoped3A_109 : memref<!tpu.dma_semaphore, #tpu.memory_space<semaphore_mem>>) src(%dma_wait3A_129 : memref<15x128xf32, #tpu.memory_space<vmem>>) dst(%dma_wait3A_126 : memref<15x128xf32, #tpu.memory_space<vmem_shared>>)
      tpu.yield
    }) : () -> ()
    %add3A_29 = arith.constant 0 : i32
    %add3A_30 = arith.addi %mul3A_16, %add3A_29 : i32
    "tpu.region"() ({
      %run_scoped3A_109 = tpu.sem_alloc : memref<!tpu.dma_semaphore, #tpu.memory_space<semaphore_mem>>
      %dma_start3A_110 = arith.constant 0 : i32
      %dma_start3A_111 = tpu.memref_slice %arg15[%add3A_30, %dma_start3A_110] : memref<10240x16xf32, #tpu.memory_space<vmem_shared>> -> memref<128x16xf32, #tpu.memory_space<vmem_shared>>
      %dma_start3A_112 = arith.constant 0 : i32
      %dma_start3A_113 = tpu.memref_slice %arg15[%add3A_30, %dma_start3A_112] : memref<10240x16xf32, #tpu.memory_space<vmem_shared>> -> memref<128x16xf32, #tpu.memory_space<vmem_shared>>
      tpu.enqueue_dma source(%arg13 : memref<128x16xf32, #tpu.memory_space<vmem>>) target(%dma_start3A_113 : memref<128x16xf32, #tpu.memory_space<vmem_shared>>) target_semaphore(%run_scoped3A_109 : memref<!tpu.dma_semaphore, #tpu.memory_space<semaphore_mem>>)
      %dma_wait3A_114 = arith.constant 0 : i32
      %dma_wait3A_115 = tpu.memref_slice %arg15[%add3A_30, %dma_wait3A_114] : memref<10240x16xf32, #tpu.memory_space<vmem_shared>> -> memref<128x16xf32, #tpu.memory_space<vmem_shared>>
      %dma_wait3A_116 = arith.constant 0 : i32
      %dma_wait3A_117 = tpu.memref_slice %arg15[%add3A_30, %dma_wait3A_116] : memref<10240x16xf32, #tpu.memory_space<vmem_shared>> -> memref<128x16xf32, #tpu.memory_space<vmem_shared>>
      tpu.wait_dma2 semaphore(%run_scoped3A_109 : memref<!tpu.dma_semaphore, #tpu.memory_space<semaphore_mem>>) src(%arg13 : memref<128x16xf32, #tpu.memory_space<vmem>>) dst(%dma_wait3A_117 : memref<128x16xf32, #tpu.memory_space<vmem_shared>>)
      tpu.yield
    }) : () -> ()
    %add3A_31 = arith.constant 128 : i32
    %add3A_32 = arith.addi %mul3A_16, %add3A_31 : i32
    "tpu.region"() ({
      %run_scoped3A_109 = tpu.sem_alloc : memref<!tpu.dma_semaphore, #tpu.memory_space<semaphore_mem>>
      %dma_start3A_110 = arith.constant 0 : i32
      %dma_start3A_111 = tpu.memref_slice %arg15[%add3A_32, %dma_start3A_110] : memref<10240x16xf32, #tpu.memory_space<vmem_shared>> -> memref<128x16xf32, #tpu.memory_space<vmem_shared>>
      %dma_start3A_112 = arith.constant 0 : i32
      %dma_start3A_113 = tpu.memref_slice %arg15[%add3A_32, %dma_start3A_112] : memref<10240x16xf32, #tpu.memory_space<vmem_shared>> -> memref<128x16xf32, #tpu.memory_space<vmem_shared>>
      tpu.enqueue_dma source(%arg13 : memref<128x16xf32, #tpu.memory_space<vmem>>) target(%dma_start3A_113 : memref<128x16xf32, #tpu.memory_space<vmem_shared>>) target_semaphore(%run_scoped3A_109 : memref<!tpu.dma_semaphore, #tpu.memory_space<semaphore_mem>>)
      %dma_wait3A_114 = arith.constant 0 : i32
      %dma_wait3A_115 = tpu.memref_slice %arg15[%add3A_32, %dma_wait3A_114] : memref<10240x16xf32, #tpu.memory_space<vmem_shared>> -> memref<128x16xf32, #tpu.memory_space<vmem_shared>>
      %dma_wait3A_116 = arith.constant 0 : i32
      %dma_wait3A_117 = tpu.memref_slice %arg15[%add3A_32, %dma_wait3A_116] : memref<10240x16xf32, #tpu.memory_space<vmem_shared>> -> memref<128x16xf32, #tpu.memory_space<vmem_shared>>
      tpu.wait_dma2 semaphore(%run_scoped3A_109 : memref<!tpu.dma_semaphore, #tpu.memory_space<semaphore_mem>>) src(%arg13 : memref<128x16xf32, #tpu.memory_space<vmem>>) dst(%dma_wait3A_117 : memref<128x16xf32, #tpu.memory_space<vmem_shared>>)
      tpu.yield
    }) : () -> ()
    %add3A_33 = arith.constant 256 : i32
    %add3A_34 = arith.addi %mul3A_16, %add3A_33 : i32
    "tpu.region"() ({
      %run_scoped3A_109 = tpu.sem_alloc : memref<!tpu.dma_semaphore, #tpu.memory_space<semaphore_mem>>
      %dma_start3A_110 = arith.constant 0 : i32
      %dma_start3A_111 = tpu.memref_slice %arg15[%add3A_34, %dma_start3A_110] : memref<10240x16xf32, #tpu.memory_space<vmem_shared>> -> memref<128x16xf32, #tpu.memory_space<vmem_shared>>
      %dma_start3A_112 = arith.constant 0 : i32
      %dma_start3A_113 = tpu.memref_slice %arg15[%add3A_34, %dma_start3A_112] : memref<10240x16xf32, #tpu.memory_space<vmem_shared>> -> memref<128x16xf32, #tpu.memory_space<vmem_shared>>
      tpu.enqueue_dma source(%arg13 : memref<128x16xf32, #tpu.memory_space<vmem>>) target(%dma_start3A_113 : memref<128x16xf32, #tpu.memory_space<vmem_shared>>) target_semaphore(%run_scoped3A_109 : memref<!tpu.dma_semaphore, #tpu.memory_space<semaphore_mem>>)
      %dma_wait3A_114 = arith.constant 0 : i32
      %dma_wait3A_115 = tpu.memref_slice %arg15[%add3A_34, %dma_wait3A_114] : memref<10240x16xf32, #tpu.memory_space<vmem_shared>> -> memref<128x16xf32, #tpu.memory_space<vmem_shared>>
      %dma_wait3A_116 = arith.constant 0 : i32
      %dma_wait3A_117 = tpu.memref_slice %arg15[%add3A_34, %dma_wait3A_116] : memref<10240x16xf32, #tpu.memory_space<vmem_shared>> -> memref<128x16xf32, #tpu.memory_space<vmem_shared>>
      tpu.wait_dma2 semaphore(%run_scoped3A_109 : memref<!tpu.dma_semaphore, #tpu.memory_space<semaphore_mem>>) src(%arg13 : memref<128x16xf32, #tpu.memory_space<vmem>>) dst(%dma_wait3A_117 : memref<128x16xf32, #tpu.memory_space<vmem_shared>>)
      tpu.yield
    }) : () -> ()
    %add3A_35 = arith.constant 384 : i32
    %add3A_36 = arith.addi %mul3A_16, %add3A_35 : i32
    "tpu.region"() ({
      %run_scoped3A_109 = tpu.sem_alloc : memref<!tpu.dma_semaphore, #tpu.memory_space<semaphore_mem>>
      %dma_start3A_110 = arith.constant 0 : i32
      %dma_start3A_111 = tpu.memref_slice %arg15[%add3A_36, %dma_start3A_110] : memref<10240x16xf32, #tpu.memory_space<vmem_shared>> -> memref<128x16xf32, #tpu.memory_space<vmem_shared>>
      %dma_start3A_112 = arith.constant 0 : i32
      %dma_start3A_113 = tpu.memref_slice %arg15[%add3A_36, %dma_start3A_112] : memref<10240x16xf32, #tpu.memory_space<vmem_shared>> -> memref<128x16xf32, #tpu.memory_space<vmem_shared>>
      tpu.enqueue_dma source(%arg13 : memref<128x16xf32, #tpu.memory_space<vmem>>) target(%dma_start3A_113 : memref<128x16xf32, #tpu.memory_space<vmem_shared>>) target_semaphore(%run_scoped3A_109 : memref<!tpu.dma_semaphore, #tpu.memory_space<semaphore_mem>>)
      %dma_wait3A_114 = arith.constant 0 : i32
      %dma_wait3A_115 = tpu.memref_slice %arg15[%add3A_36, %dma_wait3A_114] : memref<10240x16xf32, #tpu.memory_space<vmem_shared>> -> memref<128x16xf32, #tpu.memory_space<vmem_shared>>
      %dma_wait3A_116 = arith.constant 0 : i32
      %dma_wait3A_117 = tpu.memref_slice %arg15[%add3A_36, %dma_wait3A_116] : memref<10240x16xf32, #tpu.memory_space<vmem_shared>> -> memref<128x16xf32, #tpu.memory_space<vmem_shared>>
      tpu.wait_dma2 semaphore(%run_scoped3A_109 : memref<!tpu.dma_semaphore, #tpu.memory_space<semaphore_mem>>) src(%arg13 : memref<128x16xf32, #tpu.memory_space<vmem>>) dst(%dma_wait3A_117 : memref<128x16xf32, #tpu.memory_space<vmem_shared>>)
      tpu.yield
    }) : () -> ()
    %add3A_37 = arith.constant 512 : i32
    %add3A_38 = arith.addi %mul3A_16, %add3A_37 : i32
    "tpu.region"() ({
      %run_scoped3A_109 = tpu.sem_alloc : memref<!tpu.dma_semaphore, #tpu.memory_space<semaphore_mem>>
      %dma_start3A_110 = arith.constant 0 : i32
      %dma_start3A_111 = tpu.memref_slice %arg15[%add3A_38, %dma_start3A_110] : memref<10240x16xf32, #tpu.memory_space<vmem_shared>> -> memref<128x16xf32, #tpu.memory_space<vmem_shared>>
      %dma_start3A_112 = arith.constant 0 : i32
      %dma_start3A_113 = tpu.memref_slice %arg15[%add3A_38, %dma_start3A_112] : memref<10240x16xf32, #tpu.memory_space<vmem_shared>> -> memref<128x16xf32, #tpu.memory_space<vmem_shared>>
      tpu.enqueue_dma source(%arg13 : memref<128x16xf32, #tpu.memory_space<vmem>>) target(%dma_start3A_113 : memref<128x16xf32, #tpu.memory_space<vmem_shared>>) target_semaphore(%run_scoped3A_109 : memref<!tpu.dma_semaphore, #tpu.memory_space<semaphore_mem>>)
      %dma_wait3A_114 = arith.constant 0 : i32
      %dma_wait3A_115 = tpu.memref_slice %arg15[%add3A_38, %dma_wait3A_114] : memref<10240x16xf32, #tpu.memory_space<vmem_shared>> -> memref<128x16xf32, #tpu.memory_space<vmem_shared>>
      %dma_wait3A_116 = arith.constant 0 : i32
      %dma_wait3A_117 = tpu.memref_slice %arg15[%add3A_38, %dma_wait3A_116] : memref<10240x16xf32, #tpu.memory_space<vmem_shared>> -> memref<128x16xf32, #tpu.memory_space<vmem_shared>>
      tpu.wait_dma2 semaphore(%run_scoped3A_109 : memref<!tpu.dma_semaphore, #tpu.memory_space<semaphore_mem>>) src(%arg13 : memref<128x16xf32, #tpu.memory_space<vmem>>) dst(%dma_wait3A_117 : memref<128x16xf32, #tpu.memory_space<vmem_shared>>)
      tpu.yield
    }) : () -> ()
    %barrier3A = arith.constant 0 : index
    tpu.barrier barrier_id(%barrier3A)
    %run_scoped3A = arith.constant 0 : i32
    "tpu.region"() ({
      %run_scoped3A_109 = tpu.sem_alloc : memref<!tpu.dma_semaphore, #tpu.memory_space<semaphore_mem>>
      %dma_start3A_110 = arith.constant 0 : i32
      %dma_start3A_111 = arith.constant 0 : i32
      %dma_start3A_112 = arith.constant 0 : i32
      %dma_start3A_113 = tpu.memref_slice %arg3[%add3A, %dma_start3A_110, %dma_start3A_111, %dma_start3A_112] : memref<32x80x2x125xi32, #tpu.memory_space<hbm>> -> memref<1x80x2x125xi32, #tpu.memory_space<hbm>>
      %dma_start3A_114 = tpu.memref_squeeze %dma_start3A_113 : memref<1x80x2x125xi32, #tpu.memory_space<hbm>> -> memref<80x2x125xi32, #tpu.memory_space<hbm>>
      %dma_start3A_115 = arith.constant 0 : i32
      %dma_start3A_116 = arith.constant 0 : i32
      %dma_start3A_117 = tpu.memref_slice %dma_start3A_114[%run_scoped3A, %dma_start3A_115, %dma_start3A_116] : memref<80x2x125xi32, #tpu.memory_space<hbm>> -> memref<1x2x125xi32, #tpu.memory_space<hbm>>
      %dma_start3A_118 = tpu.memref_squeeze %dma_start3A_117 : memref<1x2x125xi32, #tpu.memory_space<hbm>> -> memref<2x125xi32, #tpu.memory_space<hbm>>
      %dma_start3A_119 = arith.constant 0 : i32
      %dma_start3A_120 = arith.constant 0 : i32
      %dma_start3A_121 = arith.constant 0 : i32
      %dma_start3A_122 = tpu.memref_slice %arg3[%add3A, %dma_start3A_119, %dma_start3A_120, %dma_start3A_121] : memref<32x80x2x125xi32, #tpu.memory_space<hbm>> -> memref<1x80x2x125xi32, #tpu.memory_space<hbm>>
      %dma_start3A_123 = tpu.memref_squeeze %dma_start3A_122 : memref<1x80x2x125xi32, #tpu.memory_space<hbm>> -> memref<80x2x125xi32, #tpu.memory_space<hbm>>
      %dma_start3A_124 = arith.constant 0 : i32
      %dma_start3A_125 = arith.constant 0 : i32
      %dma_start3A_126 = tpu.memref_slice %dma_start3A_123[%run_scoped3A, %dma_start3A_124, %dma_start3A_125] : memref<80x2x125xi32, #tpu.memory_space<hbm>> -> memref<1x2x125xi32, #tpu.memory_space<hbm>>
      %dma_start3A_127 = tpu.memref_squeeze %dma_start3A_126 : memref<1x2x125xi32, #tpu.memory_space<hbm>> -> memref<2x125xi32, #tpu.memory_space<hbm>>
      tpu.enqueue_dma source(%dma_start3A_127 : memref<2x125xi32, #tpu.memory_space<hbm>>) target(%arg6 : memref<2x125xi32, #tpu.memory_space<vmem>>) target_semaphore(%run_scoped3A_109 : memref<!tpu.dma_semaphore, #tpu.memory_space<semaphore_mem>>)
      %dma_wait3A_128 = arith.constant 0 : i32
      %dma_wait3A_129 = arith.constant 0 : i32
      %dma_wait3A_130 = arith.constant 0 : i32
      %dma_wait3A_131 = tpu.memref_slice %arg3[%add3A, %dma_wait3A_128, %dma_wait3A_129, %dma_wait3A_130] : memref<32x80x2x125xi32, #tpu.memory_space<hbm>> -> memref<1x80x2x125xi32, #tpu.memory_space<hbm>>
      %dma_wait3A_132 = tpu.memref_squeeze %dma_wait3A_131 : memref<1x80x2x125xi32, #tpu.memory_space<hbm>> -> memref<80x2x125xi32, #tpu.memory_space<hbm>>
      %dma_wait3A_133 = arith.constant 0 : i32
      %dma_wait3A_134 = arith.constant 0 : i32
      %dma_wait3A_135 = tpu.memref_slice %dma_wait3A_132[%run_scoped3A, %dma_wait3A_133, %dma_wait3A_134] : memref<80x2x125xi32, #tpu.memory_space<hbm>> -> memref<1x2x125xi32, #tpu.memory_space<hbm>>
      %dma_wait3A_136 = tpu.memref_squeeze %dma_wait3A_135 : memref<1x2x125xi32, #tpu.memory_space<hbm>> -> memref<2x125xi32, #tpu.memory_space<hbm>>
      %dma_wait3A_137 = arith.constant 0 : i32
      %dma_wait3A_138 = arith.constant 0 : i32
      %dma_wait3A_139 = arith.constant 0 : i32
      %dma_wait3A_140 = tpu.memref_slice %arg3[%add3A, %dma_wait3A_137, %dma_wait3A_138, %dma_wait3A_139] : memref<32x80x2x125xi32, #tpu.memory_space<hbm>> -> memref<1x80x2x125xi32, #tpu.memory_space<hbm>>
      %dma_wait3A_141 = tpu.memref_squeeze %dma_wait3A_140 : memref<1x80x2x125xi32, #tpu.memory_space<hbm>> -> memref<80x2x125xi32, #tpu.memory_space<hbm>>
      %dma_wait3A_142 = arith.constant 0 : i32
      %dma_wait3A_143 = arith.constant 0 : i32
      %dma_wait3A_144 = tpu.memref_slice %dma_wait3A_141[%run_scoped3A, %dma_wait3A_142, %dma_wait3A_143] : memref<80x2x125xi32, #tpu.memory_space<hbm>> -> memref<1x2x125xi32, #tpu.memory_space<hbm>>
      %dma_wait3A_145 = tpu.memref_squeeze %dma_wait3A_144 : memref<1x2x125xi32, #tpu.memory_space<hbm>> -> memref<2x125xi32, #tpu.memory_space<hbm>>
      tpu.wait_dma2 semaphore(%run_scoped3A_109 : memref<!tpu.dma_semaphore, #tpu.memory_space<semaphore_mem>>) src(%dma_wait3A_145 : memref<2x125xi32, #tpu.memory_space<hbm>>) dst(%arg6 : memref<2x125xi32, #tpu.memory_space<vmem>>)
      tpu.yield
    }) : () -> ()
    %dma_start3A = arith.constant 1 : i32
    %dma_start3A_39 = arith.constant 0 : i32
    %dma_start3A_40 = arith.constant 0 : i32
    %dma_start3A_41 = arith.constant 0 : i32
    %dma_start3A_42 = tpu.memref_slice %arg3[%add3A, %dma_start3A_39, %dma_start3A_40, %dma_start3A_41] : memref<32x80x2x125xi32, #tpu.memory_space<hbm>> -> memref<1x80x2x125xi32, #tpu.memory_space<hbm>>
    %dma_start3A_43 = tpu.memref_squeeze %dma_start3A_42 : memref<1x80x2x125xi32, #tpu.memory_space<hbm>> -> memref<80x2x125xi32, #tpu.memory_space<hbm>>
    %dma_start3A_44 = arith.constant 0 : i32
    %dma_start3A_45 = arith.constant 0 : i32
    %dma_start3A_46 = tpu.memref_slice %dma_start3A_43[%dma_start3A, %dma_start3A_44, %dma_start3A_45] : memref<80x2x125xi32, #tpu.memory_space<hbm>> -> memref<1x2x125xi32, #tpu.memory_space<hbm>>
    %dma_start3A_47 = tpu.memref_squeeze %dma_start3A_46 : memref<1x2x125xi32, #tpu.memory_space<hbm>> -> memref<2x125xi32, #tpu.memory_space<hbm>>
    %dma_start3A_48 = arith.constant 0 : i32
    %dma_start3A_49 = arith.constant 0 : i32
    %dma_start3A_50 = arith.constant 0 : i32
    %dma_start3A_51 = tpu.memref_slice %arg3[%add3A, %dma_start3A_48, %dma_start3A_49, %dma_start3A_50] : memref<32x80x2x125xi32, #tpu.memory_space<hbm>> -> memref<1x80x2x125xi32, #tpu.memory_space<hbm>>
    %dma_start3A_52 = tpu.memref_squeeze %dma_start3A_51 : memref<1x80x2x125xi32, #tpu.memory_space<hbm>> -> memref<80x2x125xi32, #tpu.memory_space<hbm>>
    %dma_start3A_53 = arith.constant 0 : i32
    %dma_start3A_54 = arith.constant 0 : i32
    %dma_start3A_55 = tpu.memref_slice %dma_start3A_52[%dma_start3A, %dma_start3A_53, %dma_start3A_54] : memref<80x2x125xi32, #tpu.memory_space<hbm>> -> memref<1x2x125xi32, #tpu.memory_space<hbm>>
    %dma_start3A_56 = tpu.memref_squeeze %dma_start3A_55 : memref<1x2x125xi32, #tpu.memory_space<hbm>> -> memref<2x125xi32, #tpu.memory_space<hbm>>
    tpu.enqueue_dma source(%dma_start3A_56 : memref<2x125xi32, #tpu.memory_space<hbm>>) target(%arg7 : memref<2x125xi32, #tpu.memory_space<vmem>>) target_semaphore(%arg17 : memref<!tpu.dma_semaphore, #tpu.memory_space<semaphore_mem>>)
    %dma_start3A_57 = arith.constant 2 : i32
    %dma_start3A_58 = arith.constant 0 : i32
    %dma_start3A_59 = arith.constant 0 : i32
    %dma_start3A_60 = arith.constant 0 : i32
    %dma_start3A_61 = tpu.memref_slice %arg3[%add3A, %dma_start3A_58, %dma_start3A_59, %dma_start3A_60] : memref<32x80x2x125xi32, #tpu.memory_space<hbm>> -> memref<1x80x2x125xi32, #tpu.memory_space<hbm>>
    %dma_start3A_62 = tpu.memref_squeeze %dma_start3A_61 : memref<1x80x2x125xi32, #tpu.memory_space<hbm>> -> memref<80x2x125xi32, #tpu.memory_space<hbm>>
    %dma_start3A_63 = arith.constant 0 : i32
    %dma_start3A_64 = arith.constant 0 : i32
    %dma_start3A_65 = tpu.memref_slice %dma_start3A_62[%dma_start3A_57, %dma_start3A_63, %dma_start3A_64] : memref<80x2x125xi32, #tpu.memory_space<hbm>> -> memref<1x2x125xi32, #tpu.memory_space<hbm>>
    %dma_start3A_66 = tpu.memref_squeeze %dma_start3A_65 : memref<1x2x125xi32, #tpu.memory_space<hbm>> -> memref<2x125xi32, #tpu.memory_space<hbm>>
    %dma_start3A_67 = arith.constant 0 : i32
    %dma_start3A_68 = arith.constant 0 : i32
    %dma_start3A_69 = arith.constant 0 : i32
    %dma_start3A_70 = tpu.memref_slice %arg3[%add3A, %dma_start3A_67, %dma_start3A_68, %dma_start3A_69] : memref<32x80x2x125xi32, #tpu.memory_space<hbm>> -> memref<1x80x2x125xi32, #tpu.memory_space<hbm>>
    %dma_start3A_71 = tpu.memref_squeeze %dma_start3A_70 : memref<1x80x2x125xi32, #tpu.memory_space<hbm>> -> memref<80x2x125xi32, #tpu.memory_space<hbm>>
    %dma_start3A_72 = arith.constant 0 : i32
    %dma_start3A_73 = arith.constant 0 : i32
    %dma_start3A_74 = tpu.memref_slice %dma_start3A_71[%dma_start3A_57, %dma_start3A_72, %dma_start3A_73] : memref<80x2x125xi32, #tpu.memory_space<hbm>> -> memref<1x2x125xi32, #tpu.memory_space<hbm>>
    %dma_start3A_75 = tpu.memref_squeeze %dma_start3A_74 : memref<1x2x125xi32, #tpu.memory_space<hbm>> -> memref<2x125xi32, #tpu.memory_space<hbm>>
    tpu.enqueue_dma source(%dma_start3A_75 : memref<2x125xi32, #tpu.memory_space<hbm>>) target(%arg8 : memref<2x125xi32, #tpu.memory_space<vmem>>) target_semaphore(%arg16 : memref<!tpu.dma_semaphore, #tpu.memory_space<semaphore_mem>>)
    %dma_start3A_76 = arith.constant 0 : i32
    %dma_start3A_77 = arith.constant 0 : i32
    %dma_start3A_78 = tpu.memref_slice %arg6[%dma_start3A_76, %dma_start3A_77] : memref<2x125xi32, #tpu.memory_space<vmem>> -> memref<1x125xi32, #tpu.memory_space<vmem>>
    %dma_start3A_79 = tpu.memref_squeeze %dma_start3A_78 : memref<1x125xi32, #tpu.memory_space<vmem>> -> memref<125xi32, #tpu.memory_space<vmem>>
    %dma_start3A_80 = arith.constant 0 : i32
    %dma_start3A_81 = arith.constant 0 : i32
    %dma_start3A_82 = tpu.memref_slice %arg2[%dma_start3A_80, %dma_start3A_81] : memref<10000x128xf32, #tpu.memory_space<hbm>> -> memref<10000x128xf32, #tpu.memory_space<hbm>>
    tpu.enqueue_indirect_dma source(%dma_start3A_82 : memref<10000x128xf32, #tpu.memory_space<hbm>>) target(%arg10 : memref<125x128xf32, #tpu.memory_space<vmem>>) offsets(%dma_start3A_79 : memref<125xi32, #tpu.memory_space<vmem>>) semaphore(%arg18 : memref<!tpu.dma_semaphore, #tpu.memory_space<semaphore_mem>>)
    %scan3A_83 = arith.constant 0 : i32
    %scan3A_84 = arith.constant 0 : i32
    %scan3A_85 = arith.constant 20 : i32
    %scan3A_86 = arith.addi %scan3A_84, %scan3A_85 : i32
    %scan3A_87 = arith.constant 1 : i32
    scf.for %scan3A_109 = %scan3A_84 to %scan3A_86 step %scan3A_87  : i32 {
      %mul3A_110 = arith.constant 4 : i32
      %mul3A_111 = arith.muli %mul3A_110, %scan3A_109 : i32
      %add3A_112 = arith.constant 0 : i32
      %add3A_113 = arith.addi %mul3A_111, %add3A_112 : i32
      %dma_wait3A_114 = arith.constant 0 : i32
      %dma_wait3A_115 = arith.constant 0 : i32
      %dma_wait3A_116 = tpu.memref_slice %arg6[%dma_wait3A_114, %dma_wait3A_115] : memref<2x125xi32, #tpu.memory_space<vmem>> -> memref<1x125xi32, #tpu.memory_space<vmem>>
      %dma_wait3A_117 = tpu.memref_squeeze %dma_wait3A_116 : memref<1x125xi32, #tpu.memory_space<vmem>> -> memref<125xi32, #tpu.memory_space<vmem>>
      %dma_wait3A_118 = arith.constant 0 : i32
      %dma_wait3A_119 = arith.constant 0 : i32
      %dma_wait3A_120 = tpu.memref_slice %arg2[%dma_wait3A_118, %dma_wait3A_119] : memref<10000x128xf32, #tpu.memory_space<hbm>> -> memref<10000x128xf32, #tpu.memory_space<hbm>>
      tpu.wait_indirect_dma semaphore(%arg18 : memref<!tpu.dma_semaphore, #tpu.memory_space<semaphore_mem>>) src(%dma_wait3A_120 : memref<10000x128xf32, #tpu.memory_space<hbm>>) dst(%arg10 : memref<125x128xf32, #tpu.memory_space<vmem>>)
      %gt3A = arith.constant 0 : i32
      %gt3A_121 = arith.cmpi sgt, %scan3A_109, %gt3A : i32
      %convert_element_type3A = arith.extui %gt3A_121 : i1 to i32
      %cond3A = arith.constant 0 : i32
      %cond3A_122 = arith.cmpi ne, %convert_element_type3A, %cond3A : i32
      scf.if %cond3A_122 {
        %dma_wait3A_368 = arith.constant 1 : i32
        %dma_wait3A_369 = arith.constant 0 : i32
        %dma_wait3A_370 = tpu.memref_slice %arg9[%dma_wait3A_368, %dma_wait3A_369] : memref<2x125xi32, #tpu.memory_space<vmem>> -> memref<1x125xi32, #tpu.memory_space<vmem>>
        %dma_wait3A_371 = tpu.memref_squeeze %dma_wait3A_370 : memref<1x125xi32, #tpu.memory_space<vmem>> -> memref<125xi32, #tpu.memory_space<vmem>>
        %dma_wait3A_372 = arith.constant 0 : i32
        %dma_wait3A_373 = arith.constant 0 : i32
        %dma_wait3A_374 = tpu.memref_slice %arg14[%dma_wait3A_372, %dma_wait3A_373] : memref<10240x128xf32, #tpu.memory_space<vmem_shared>> -> memref<10240x128xf32, #tpu.memory_space<vmem_shared>>
        tpu.wait_indirect_dma semaphore(%arg21 : memref<!tpu.dma_semaphore, #tpu.memory_space<semaphore_mem>>) src(%arg11 : memref<125x128xf32, #tpu.memory_space<vmem>>) dst(%dma_wait3A_374 : memref<10240x128xf32, #tpu.memory_space<vmem_shared>>)
        %dma_wait3A_375 = arith.constant 1 : i32
        %dma_wait3A_376 = arith.constant 0 : i32
        %dma_wait3A_377 = tpu.memref_slice %arg9[%dma_wait3A_375, %dma_wait3A_376] : memref<2x125xi32, #tpu.memory_space<vmem>> -> memref<1x125xi32, #tpu.memory_space<vmem>>
        %dma_wait3A_378 = tpu.memref_squeeze %dma_wait3A_377 : memref<1x125xi32, #tpu.memory_space<vmem>> -> memref<125xi32, #tpu.memory_space<vmem>>
        %dma_wait3A_379 = arith.constant 0 : i32
        %dma_wait3A_380 = arith.constant 0 : i32
        %dma_wait3A_381 = tpu.memref_slice %arg15[%dma_wait3A_379, %dma_wait3A_380] : memref<10240x16xf32, #tpu.memory_space<vmem_shared>> -> memref<10240x16xf32, #tpu.memory_space<vmem_shared>>
        tpu.wait_indirect_dma semaphore(%arg21 : memref<!tpu.dma_semaphore, #tpu.memory_space<semaphore_mem>>) src(%arg12 : memref<125x16xf32, #tpu.memory_space<vmem>>) dst(%dma_wait3A_381 : memref<10240x16xf32, #tpu.memory_space<vmem_shared>>)
      } else {
      }
      %dma_wait3A_123 = arith.constant 0 : i32
      %dma_wait3A_124 = arith.constant 0 : i32
      %dma_wait3A_125 = arith.constant 0 : i32
      %dma_wait3A_126 = tpu.memref_slice %arg3[%add3A, %dma_wait3A_123, %dma_wait3A_124, %dma_wait3A_125] : memref<32x80x2x125xi32, #tpu.memory_space<hbm>> -> memref<1x80x2x125xi32, #tpu.memory_space<hbm>>
      %dma_wait3A_127 = tpu.memref_squeeze %dma_wait3A_126 : memref<1x80x2x125xi32, #tpu.memory_space<hbm>> -> memref<80x2x125xi32, #tpu.memory_space<hbm>>
      %dma_wait3A_128 = arith.constant 0 : i32
      %dma_wait3A_129 = arith.constant 0 : i32
      %dma_wait3A_130 = tpu.memref_slice %dma_wait3A_127[%add3A_113, %dma_wait3A_128, %dma_wait3A_129] : memref<80x2x125xi32, #tpu.memory_space<hbm>> -> memref<1x2x125xi32, #tpu.memory_space<hbm>>
      %dma_wait3A_131 = tpu.memref_squeeze %dma_wait3A_130 : memref<1x2x125xi32, #tpu.memory_space<hbm>> -> memref<2x125xi32, #tpu.memory_space<hbm>>
      %dma_wait3A_132 = arith.constant 0 : i32
      %dma_wait3A_133 = arith.constant 0 : i32
      %dma_wait3A_134 = arith.constant 0 : i32
      %dma_wait3A_135 = tpu.memref_slice %arg3[%add3A, %dma_wait3A_132, %dma_wait3A_133, %dma_wait3A_134] : memref<32x80x2x125xi32, #tpu.memory_space<hbm>> -> memref<1x80x2x125xi32, #tpu.memory_space<hbm>>
      %dma_wait3A_136 = tpu.memref_squeeze %dma_wait3A_135 : memref<1x80x2x125xi32, #tpu.memory_space<hbm>> -> memref<80x2x125xi32, #tpu.memory_space<hbm>>
      %dma_wait3A_137 = arith.constant 0 : i32
      %dma_wait3A_138 = arith.constant 0 : i32
      %dma_wait3A_139 = tpu.memref_slice %dma_wait3A_136[%add3A_113, %dma_wait3A_137, %dma_wait3A_138] : memref<80x2x125xi32, #tpu.memory_space<hbm>> -> memref<1x2x125xi32, #tpu.memory_space<hbm>>
      %dma_wait3A_140 = tpu.memref_squeeze %dma_wait3A_139 : memref<1x2x125xi32, #tpu.memory_space<hbm>> -> memref<2x125xi32, #tpu.memory_space<hbm>>
      tpu.wait_dma2 semaphore(%arg17 : memref<!tpu.dma_semaphore, #tpu.memory_space<semaphore_mem>>) src(%dma_wait3A_140 : memref<2x125xi32, #tpu.memory_space<hbm>>) dst(%arg7 : memref<2x125xi32, #tpu.memory_space<vmem>>)
      %dma_start3A_141 = arith.constant 0 : i32
      %dma_start3A_142 = arith.constant 0 : i32
      %dma_start3A_143 = tpu.memref_slice %arg7[%dma_start3A_141, %dma_start3A_142] : memref<2x125xi32, #tpu.memory_space<vmem>> -> memref<1x125xi32, #tpu.memory_space<vmem>>
      %dma_start3A_144 = tpu.memref_squeeze %dma_start3A_143 : memref<1x125xi32, #tpu.memory_space<vmem>> -> memref<125xi32, #tpu.memory_space<vmem>>
      %dma_start3A_145 = arith.constant 0 : i32
      %dma_start3A_146 = arith.constant 0 : i32
      %dma_start3A_147 = tpu.memref_slice %arg2[%dma_start3A_145, %dma_start3A_146] : memref<10000x128xf32, #tpu.memory_space<hbm>> -> memref<10000x128xf32, #tpu.memory_space<hbm>>
      tpu.enqueue_indirect_dma source(%dma_start3A_147 : memref<10000x128xf32, #tpu.memory_space<hbm>>) target(%arg11 : memref<125x128xf32, #tpu.memory_space<vmem>>) offsets(%dma_start3A_144 : memref<125xi32, #tpu.memory_space<vmem>>) semaphore(%arg19 : memref<!tpu.dma_semaphore, #tpu.memory_space<semaphore_mem>>)
      %dma_start3A_148 = arith.constant 1 : i32
      %dma_start3A_149 = arith.constant 0 : i32
      %dma_start3A_150 = tpu.memref_slice %arg6[%dma_start3A_148, %dma_start3A_149] : memref<2x125xi32, #tpu.memory_space<vmem>> -> memref<1x125xi32, #tpu.memory_space<vmem>>
      %dma_start3A_151 = tpu.memref_squeeze %dma_start3A_150 : memref<1x125xi32, #tpu.memory_space<vmem>> -> memref<125xi32, #tpu.memory_space<vmem>>
      %dma_start3A_152 = arith.constant 0 : i32
      %dma_start3A_153 = arith.constant 0 : i32
      %dma_start3A_154 = tpu.memref_slice %arg14[%dma_start3A_152, %dma_start3A_153] : memref<10240x128xf32, #tpu.memory_space<vmem_shared>> -> memref<10240x128xf32, #tpu.memory_space<vmem_shared>>
      tpu.enqueue_indirect_dma source(%arg10 : memref<125x128xf32, #tpu.memory_space<vmem>>) target(%dma_start3A_154 : memref<10240x128xf32, #tpu.memory_space<vmem_shared>>) offsets(%dma_start3A_151 : memref<125xi32, #tpu.memory_space<vmem>>) semaphore(%arg20 : memref<!tpu.dma_semaphore, #tpu.memory_space<semaphore_mem>>) {add = true}
      %dma_start3A_155 = arith.constant 1 : i32
      %dma_start3A_156 = arith.constant 0 : i32
      %dma_start3A_157 = tpu.memref_slice %arg6[%dma_start3A_155, %dma_start3A_156] : memref<2x125xi32, #tpu.memory_space<vmem>> -> memref<1x125xi32, #tpu.memory_space<vmem>>
      %dma_start3A_158 = tpu.memref_squeeze %dma_start3A_157 : memref<1x125xi32, #tpu.memory_space<vmem>> -> memref<125xi32, #tpu.memory_space<vmem>>
      %dma_start3A_159 = arith.constant 0 : i32
      %dma_start3A_160 = arith.constant 0 : i32
      %dma_start3A_161 = tpu.memref_slice %arg15[%dma_start3A_159, %dma_start3A_160] : memref<10240x16xf32, #tpu.memory_space<vmem_shared>> -> memref<10240x16xf32, #tpu.memory_space<vmem_shared>>
      tpu.enqueue_indirect_dma source(%arg12 : memref<125x16xf32, #tpu.memory_space<vmem>>) target(%dma_start3A_161 : memref<10240x16xf32, #tpu.memory_space<vmem_shared>>) offsets(%dma_start3A_158 : memref<125xi32, #tpu.memory_space<vmem>>) semaphore(%arg20 : memref<!tpu.dma_semaphore, #tpu.memory_space<semaphore_mem>>) {add = true}
      %add3A_162 = arith.constant 3 : i32
      %add3A_163 = arith.addi %add3A_113, %add3A_162 : i32
      %dma_start3A_164 = arith.constant 0 : i32
      %dma_start3A_165 = arith.constant 0 : i32
      %dma_start3A_166 = arith.constant 0 : i32
      %dma_start3A_167 = tpu.memref_slice %arg3[%add3A, %dma_start3A_164, %dma_start3A_165, %dma_start3A_166] : memref<32x80x2x125xi32, #tpu.memory_space<hbm>> -> memref<1x80x2x125xi32, #tpu.memory_space<hbm>>
      %dma_start3A_168 = tpu.memref_squeeze %dma_start3A_167 : memref<1x80x2x125xi32, #tpu.memory_space<hbm>> -> memref<80x2x125xi32, #tpu.memory_space<hbm>>
      %dma_start3A_169 = arith.constant 0 : i32
      %dma_start3A_170 = arith.constant 0 : i32
      %dma_start3A_171 = tpu.memref_slice %dma_start3A_168[%add3A_163, %dma_start3A_169, %dma_start3A_170] : memref<80x2x125xi32, #tpu.memory_space<hbm>> -> memref<1x2x125xi32, #tpu.memory_space<hbm>>
      %dma_start3A_172 = tpu.memref_squeeze %dma_start3A_171 : memref<1x2x125xi32, #tpu.memory_space<hbm>> -> memref<2x125xi32, #tpu.memory_space<hbm>>
      %dma_start3A_173 = arith.constant 0 : i32
      %dma_start3A_174 = arith.constant 0 : i32
      %dma_start3A_175 = arith.constant 0 : i32
      %dma_start3A_176 = tpu.memref_slice %arg3[%add3A, %dma_start3A_173, %dma_start3A_174, %dma_start3A_175] : memref<32x80x2x125xi32, #tpu.memory_space<hbm>> -> memref<1x80x2x125xi32, #tpu.memory_space<hbm>>
      %dma_start3A_177 = tpu.memref_squeeze %dma_start3A_176 : memref<1x80x2x125xi32, #tpu.memory_space<hbm>> -> memref<80x2x125xi32, #tpu.memory_space<hbm>>
      %dma_start3A_178 = arith.constant 0 : i32
      %dma_start3A_179 = arith.constant 0 : i32
      %dma_start3A_180 = tpu.memref_slice %dma_start3A_177[%add3A_163, %dma_start3A_178, %dma_start3A_179] : memref<80x2x125xi32, #tpu.memory_space<hbm>> -> memref<1x2x125xi32, #tpu.memory_space<hbm>>
      %dma_start3A_181 = tpu.memref_squeeze %dma_start3A_180 : memref<1x2x125xi32, #tpu.memory_space<hbm>> -> memref<2x125xi32, #tpu.memory_space<hbm>>
      tpu.enqueue_dma source(%dma_start3A_181 : memref<2x125xi32, #tpu.memory_space<hbm>>) target(%arg9 : memref<2x125xi32, #tpu.memory_space<vmem>>) target_semaphore(%arg17 : memref<!tpu.dma_semaphore, #tpu.memory_space<semaphore_mem>>)
      %mul3A_182 = arith.constant 4 : i32
      %mul3A_183 = arith.muli %mul3A_182, %scan3A_109 : i32
      %add3A_184 = arith.constant 1 : i32
      %add3A_185 = arith.addi %mul3A_183, %add3A_184 : i32
      %dma_wait3A_186 = arith.constant 0 : i32
      %dma_wait3A_187 = arith.constant 0 : i32
      %dma_wait3A_188 = tpu.memref_slice %arg7[%dma_wait3A_186, %dma_wait3A_187] : memref<2x125xi32, #tpu.memory_space<vmem>> -> memref<1x125xi32, #tpu.memory_space<vmem>>
      %dma_wait3A_189 = tpu.memref_squeeze %dma_wait3A_188 : memref<1x125xi32, #tpu.memory_space<vmem>> -> memref<125xi32, #tpu.memory_space<vmem>>
      %dma_wait3A_190 = arith.constant 0 : i32
      %dma_wait3A_191 = arith.constant 0 : i32
      %dma_wait3A_192 = tpu.memref_slice %arg2[%dma_wait3A_190, %dma_wait3A_191] : memref<10000x128xf32, #tpu.memory_space<hbm>> -> memref<10000x128xf32, #tpu.memory_space<hbm>>
      tpu.wait_indirect_dma semaphore(%arg19 : memref<!tpu.dma_semaphore, #tpu.memory_space<semaphore_mem>>) src(%dma_wait3A_192 : memref<10000x128xf32, #tpu.memory_space<hbm>>) dst(%arg11 : memref<125x128xf32, #tpu.memory_space<vmem>>)
      %dma_wait3A_193 = arith.constant 1 : i32
      %dma_wait3A_194 = arith.constant 0 : i32
      %dma_wait3A_195 = tpu.memref_slice %arg6[%dma_wait3A_193, %dma_wait3A_194] : memref<2x125xi32, #tpu.memory_space<vmem>> -> memref<1x125xi32, #tpu.memory_space<vmem>>
      %dma_wait3A_196 = tpu.memref_squeeze %dma_wait3A_195 : memref<1x125xi32, #tpu.memory_space<vmem>> -> memref<125xi32, #tpu.memory_space<vmem>>
      %dma_wait3A_197 = arith.constant 0 : i32
      %dma_wait3A_198 = arith.constant 0 : i32
      %dma_wait3A_199 = tpu.memref_slice %arg14[%dma_wait3A_197, %dma_wait3A_198] : memref<10240x128xf32, #tpu.memory_space<vmem_shared>> -> memref<10240x128xf32, #tpu.memory_space<vmem_shared>>
      tpu.wait_indirect_dma semaphore(%arg20 : memref<!tpu.dma_semaphore, #tpu.memory_space<semaphore_mem>>) src(%arg10 : memref<125x128xf32, #tpu.memory_space<vmem>>) dst(%dma_wait3A_199 : memref<10240x128xf32, #tpu.memory_space<vmem_shared>>)
      %dma_wait3A_200 = arith.constant 1 : i32
      %dma_wait3A_201 = arith.constant 0 : i32
      %dma_wait3A_202 = tpu.memref_slice %arg6[%dma_wait3A_200, %dma_wait3A_201] : memref<2x125xi32, #tpu.memory_space<vmem>> -> memref<1x125xi32, #tpu.memory_space<vmem>>
      %dma_wait3A_203 = tpu.memref_squeeze %dma_wait3A_202 : memref<1x125xi32, #tpu.memory_space<vmem>> -> memref<125xi32, #tpu.memory_space<vmem>>
      %dma_wait3A_204 = arith.constant 0 : i32
      %dma_wait3A_205 = arith.constant 0 : i32
      %dma_wait3A_206 = tpu.memref_slice %arg15[%dma_wait3A_204, %dma_wait3A_205] : memref<10240x16xf32, #tpu.memory_space<vmem_shared>> -> memref<10240x16xf32, #tpu.memory_space<vmem_shared>>
      tpu.wait_indirect_dma semaphore(%arg20 : memref<!tpu.dma_semaphore, #tpu.memory_space<semaphore_mem>>) src(%arg12 : memref<125x16xf32, #tpu.memory_space<vmem>>) dst(%dma_wait3A_206 : memref<10240x16xf32, #tpu.memory_space<vmem_shared>>)
      %dma_wait3A_207 = arith.constant 0 : i32
      %dma_wait3A_208 = arith.constant 0 : i32
      %dma_wait3A_209 = arith.constant 0 : i32
      %dma_wait3A_210 = tpu.memref_slice %arg3[%add3A, %dma_wait3A_207, %dma_wait3A_208, %dma_wait3A_209] : memref<32x80x2x125xi32, #tpu.memory_space<hbm>> -> memref<1x80x2x125xi32, #tpu.memory_space<hbm>>
      %dma_wait3A_211 = tpu.memref_squeeze %dma_wait3A_210 : memref<1x80x2x125xi32, #tpu.memory_space<hbm>> -> memref<80x2x125xi32, #tpu.memory_space<hbm>>
      %dma_wait3A_212 = arith.constant 0 : i32
      %dma_wait3A_213 = arith.constant 0 : i32
      %dma_wait3A_214 = tpu.memref_slice %dma_wait3A_211[%add3A_185, %dma_wait3A_212, %dma_wait3A_213] : memref<80x2x125xi32, #tpu.memory_space<hbm>> -> memref<1x2x125xi32, #tpu.memory_space<hbm>>
      %dma_wait3A_215 = tpu.memref_squeeze %dma_wait3A_214 : memref<1x2x125xi32, #tpu.memory_space<hbm>> -> memref<2x125xi32, #tpu.memory_space<hbm>>
      %dma_wait3A_216 = arith.constant 0 : i32
      %dma_wait3A_217 = arith.constant 0 : i32
      %dma_wait3A_218 = arith.constant 0 : i32
      %dma_wait3A_219 = tpu.memref_slice %arg3[%add3A, %dma_wait3A_216, %dma_wait3A_217, %dma_wait3A_218] : memref<32x80x2x125xi32, #tpu.memory_space<hbm>> -> memref<1x80x2x125xi32, #tpu.memory_space<hbm>>
      %dma_wait3A_220 = tpu.memref_squeeze %dma_wait3A_219 : memref<1x80x2x125xi32, #tpu.memory_space<hbm>> -> memref<80x2x125xi32, #tpu.memory_space<hbm>>
      %dma_wait3A_221 = arith.constant 0 : i32
      %dma_wait3A_222 = arith.constant 0 : i32
      %dma_wait3A_223 = tpu.memref_slice %dma_wait3A_220[%add3A_185, %dma_wait3A_221, %dma_wait3A_222] : memref<80x2x125xi32, #tpu.memory_space<hbm>> -> memref<1x2x125xi32, #tpu.memory_space<hbm>>
      %dma_wait3A_224 = tpu.memref_squeeze %dma_wait3A_223 : memref<1x2x125xi32, #tpu.memory_space<hbm>> -> memref<2x125xi32, #tpu.memory_space<hbm>>
      tpu.wait_dma2 semaphore(%arg16 : memref<!tpu.dma_semaphore, #tpu.memory_space<semaphore_mem>>) src(%dma_wait3A_224 : memref<2x125xi32, #tpu.memory_space<hbm>>) dst(%arg8 : memref<2x125xi32, #tpu.memory_space<vmem>>)
      %dma_start3A_225 = arith.constant 0 : i32
      %dma_start3A_226 = arith.constant 0 : i32
      %dma_start3A_227 = tpu.memref_slice %arg8[%dma_start3A_225, %dma_start3A_226] : memref<2x125xi32, #tpu.memory_space<vmem>> -> memref<1x125xi32, #tpu.memory_space<vmem>>
      %dma_start3A_228 = tpu.memref_squeeze %dma_start3A_227 : memref<1x125xi32, #tpu.memory_space<vmem>> -> memref<125xi32, #tpu.memory_space<vmem>>
      %dma_start3A_229 = arith.constant 0 : i32
      %dma_start3A_230 = arith.constant 0 : i32
      %dma_start3A_231 = tpu.memref_slice %arg2[%dma_start3A_229, %dma_start3A_230] : memref<10000x128xf32, #tpu.memory_space<hbm>> -> memref<10000x128xf32, #tpu.memory_space<hbm>>
      tpu.enqueue_indirect_dma source(%dma_start3A_231 : memref<10000x128xf32, #tpu.memory_space<hbm>>) target(%arg10 : memref<125x128xf32, #tpu.memory_space<vmem>>) offsets(%dma_start3A_228 : memref<125xi32, #tpu.memory_space<vmem>>) semaphore(%arg18 : memref<!tpu.dma_semaphore, #tpu.memory_space<semaphore_mem>>)
      %dma_start3A_232 = arith.constant 1 : i32
      %dma_start3A_233 = arith.constant 0 : i32
      %dma_start3A_234 = tpu.memref_slice %arg7[%dma_start3A_232, %dma_start3A_233] : memref<2x125xi32, #tpu.memory_space<vmem>> -> memref<1x125xi32, #tpu.memory_space<vmem>>
      %dma_start3A_235 = tpu.memref_squeeze %dma_start3A_234 : memref<1x125xi32, #tpu.memory_space<vmem>> -> memref<125xi32, #tpu.memory_space<vmem>>
      %dma_start3A_236 = arith.constant 0 : i32
      %dma_start3A_237 = arith.constant 0 : i32
      %dma_start3A_238 = tpu.memref_slice %arg14[%dma_start3A_236, %dma_start3A_237] : memref<10240x128xf32, #tpu.memory_space<vmem_shared>> -> memref<10240x128xf32, #tpu.memory_space<vmem_shared>>
      tpu.enqueue_indirect_dma source(%arg11 : memref<125x128xf32, #tpu.memory_space<vmem>>) target(%dma_start3A_238 : memref<10240x128xf32, #tpu.memory_space<vmem_shared>>) offsets(%dma_start3A_235 : memref<125xi32, #tpu.memory_space<vmem>>) semaphore(%arg21 : memref<!tpu.dma_semaphore, #tpu.memory_space<semaphore_mem>>) {add = true}
      %dma_start3A_239 = arith.constant 1 : i32
      %dma_start3A_240 = arith.constant 0 : i32
      %dma_start3A_241 = tpu.memref_slice %arg7[%dma_start3A_239, %dma_start3A_240] : memref<2x125xi32, #tpu.memory_space<vmem>> -> memref<1x125xi32, #tpu.memory_space<vmem>>
      %dma_start3A_242 = tpu.memref_squeeze %dma_start3A_241 : memref<1x125xi32, #tpu.memory_space<vmem>> -> memref<125xi32, #tpu.memory_space<vmem>>
      %dma_start3A_243 = arith.constant 0 : i32
      %dma_start3A_244 = arith.constant 0 : i32
      %dma_start3A_245 = tpu.memref_slice %arg15[%dma_start3A_243, %dma_start3A_244] : memref<10240x16xf32, #tpu.memory_space<vmem_shared>> -> memref<10240x16xf32, #tpu.memory_space<vmem_shared>>
      tpu.enqueue_indirect_dma source(%arg12 : memref<125x16xf32, #tpu.memory_space<vmem>>) target(%dma_start3A_245 : memref<10240x16xf32, #tpu.memory_space<vmem_shared>>) offsets(%dma_start3A_242 : memref<125xi32, #tpu.memory_space<vmem>>) semaphore(%arg21 : memref<!tpu.dma_semaphore, #tpu.memory_space<semaphore_mem>>) {add = true}
      %lt3A = arith.constant 19 : i32
      %lt3A_246 = arith.cmpi slt, %scan3A_109, %lt3A : i32
      %convert_element_type3A_247 = arith.extui %lt3A_246 : i1 to i32
      %cond3A_248 = arith.constant 0 : i32
      %cond3A_249 = arith.cmpi ne, %convert_element_type3A_247, %cond3A_248 : i32
      scf.if %cond3A_249 {
        %add3A_368 = arith.constant 3 : i32
        %add3A_369 = arith.addi %add3A_185, %add3A_368 : i32
        %dma_start3A_370 = arith.constant 0 : i32
        %dma_start3A_371 = arith.constant 0 : i32
        %dma_start3A_372 = arith.constant 0 : i32
        %dma_start3A_373 = tpu.memref_slice %arg3[%add3A, %dma_start3A_370, %dma_start3A_371, %dma_start3A_372] : memref<32x80x2x125xi32, #tpu.memory_space<hbm>> -> memref<1x80x2x125xi32, #tpu.memory_space<hbm>>
        %dma_start3A_374 = tpu.memref_squeeze %dma_start3A_373 : memref<1x80x2x125xi32, #tpu.memory_space<hbm>> -> memref<80x2x125xi32, #tpu.memory_space<hbm>>
        %dma_start3A_375 = arith.constant 0 : i32
        %dma_start3A_376 = arith.constant 0 : i32
        %dma_start3A_377 = tpu.memref_slice %dma_start3A_374[%add3A_369, %dma_start3A_375, %dma_start3A_376] : memref<80x2x125xi32, #tpu.memory_space<hbm>> -> memref<1x2x125xi32, #tpu.memory_space<hbm>>
        %dma_start3A_378 = tpu.memref_squeeze %dma_start3A_377 : memref<1x2x125xi32, #tpu.memory_space<hbm>> -> memref<2x125xi32, #tpu.memory_space<hbm>>
        %dma_start3A_379 = arith.constant 0 : i32
        %dma_start3A_380 = arith.constant 0 : i32
        %dma_start3A_381 = arith.constant 0 : i32
        %dma_start3A_382 = tpu.memref_slice %arg3[%add3A, %dma_start3A_379, %dma_start3A_380, %dma_start3A_381] : memref<32x80x2x125xi32, #tpu.memory_space<hbm>> -> memref<1x80x2x125xi32, #tpu.memory_space<hbm>>
        %dma_start3A_383 = tpu.memref_squeeze %dma_start3A_382 : memref<1x80x2x125xi32, #tpu.memory_space<hbm>> -> memref<80x2x125xi32, #tpu.memory_space<hbm>>
        %dma_start3A_384 = arith.constant 0 : i32
        %dma_start3A_385 = arith.constant 0 : i32
        %dma_start3A_386 = tpu.memref_slice %dma_start3A_383[%add3A_369, %dma_start3A_384, %dma_start3A_385] : memref<80x2x125xi32, #tpu.memory_space<hbm>> -> memref<1x2x125xi32, #tpu.memory_space<hbm>>
        %dma_start3A_387 = tpu.memref_squeeze %dma_start3A_386 : memref<1x2x125xi32, #tpu.memory_space<hbm>> -> memref<2x125xi32, #tpu.memory_space<hbm>>
        tpu.enqueue_dma source(%dma_start3A_387 : memref<2x125xi32, #tpu.memory_space<hbm>>) target(%arg6 : memref<2x125xi32, #tpu.memory_space<vmem>>) target_semaphore(%arg16 : memref<!tpu.dma_semaphore, #tpu.memory_space<semaphore_mem>>)
      } else {
      }
      %mul3A_250 = arith.constant 4 : i32
      %mul3A_251 = arith.muli %mul3A_250, %scan3A_109 : i32
      %add3A_252 = arith.constant 2 : i32
      %add3A_253 = arith.addi %mul3A_251, %add3A_252 : i32
      %dma_wait3A_254 = arith.constant 0 : i32
      %dma_wait3A_255 = arith.constant 0 : i32
      %dma_wait3A_256 = tpu.memref_slice %arg8[%dma_wait3A_254, %dma_wait3A_255] : memref<2x125xi32, #tpu.memory_space<vmem>> -> memref<1x125xi32, #tpu.memory_space<vmem>>
      %dma_wait3A_257 = tpu.memref_squeeze %dma_wait3A_256 : memref<1x125xi32, #tpu.memory_space<vmem>> -> memref<125xi32, #tpu.memory_space<vmem>>
      %dma_wait3A_258 = arith.constant 0 : i32
      %dma_wait3A_259 = arith.constant 0 : i32
      %dma_wait3A_260 = tpu.memref_slice %arg2[%dma_wait3A_258, %dma_wait3A_259] : memref<10000x128xf32, #tpu.memory_space<hbm>> -> memref<10000x128xf32, #tpu.memory_space<hbm>>
      tpu.wait_indirect_dma semaphore(%arg18 : memref<!tpu.dma_semaphore, #tpu.memory_space<semaphore_mem>>) src(%dma_wait3A_260 : memref<10000x128xf32, #tpu.memory_space<hbm>>) dst(%arg10 : memref<125x128xf32, #tpu.memory_space<vmem>>)
      %dma_wait3A_261 = arith.constant 1 : i32
      %dma_wait3A_262 = arith.constant 0 : i32
      %dma_wait3A_263 = tpu.memref_slice %arg7[%dma_wait3A_261, %dma_wait3A_262] : memref<2x125xi32, #tpu.memory_space<vmem>> -> memref<1x125xi32, #tpu.memory_space<vmem>>
      %dma_wait3A_264 = tpu.memref_squeeze %dma_wait3A_263 : memref<1x125xi32, #tpu.memory_space<vmem>> -> memref<125xi32, #tpu.memory_space<vmem>>
      %dma_wait3A_265 = arith.constant 0 : i32
      %dma_wait3A_266 = arith.constant 0 : i32
      %dma_wait3A_267 = tpu.memref_slice %arg14[%dma_wait3A_265, %dma_wait3A_266] : memref<10240x128xf32, #tpu.memory_space<vmem_shared>> -> memref<10240x128xf32, #tpu.memory_space<vmem_shared>>
      tpu.wait_indirect_dma semaphore(%arg21 : memref<!tpu.dma_semaphore, #tpu.memory_space<semaphore_mem>>) src(%arg11 : memref<125x128xf32, #tpu.memory_space<vmem>>) dst(%dma_wait3A_267 : memref<10240x128xf32, #tpu.memory_space<vmem_shared>>)
      %dma_wait3A_268 = arith.constant 1 : i32
      %dma_wait3A_269 = arith.constant 0 : i32
      %dma_wait3A_270 = tpu.memref_slice %arg7[%dma_wait3A_268, %dma_wait3A_269] : memref<2x125xi32, #tpu.memory_space<vmem>> -> memref<1x125xi32, #tpu.memory_space<vmem>>
      %dma_wait3A_271 = tpu.memref_squeeze %dma_wait3A_270 : memref<1x125xi32, #tpu.memory_space<vmem>> -> memref<125xi32, #tpu.memory_space<vmem>>
      %dma_wait3A_272 = arith.constant 0 : i32
      %dma_wait3A_273 = arith.constant 0 : i32
      %dma_wait3A_274 = tpu.memref_slice %arg15[%dma_wait3A_272, %dma_wait3A_273] : memref<10240x16xf32, #tpu.memory_space<vmem_shared>> -> memref<10240x16xf32, #tpu.memory_space<vmem_shared>>
      tpu.wait_indirect_dma semaphore(%arg21 : memref<!tpu.dma_semaphore, #tpu.memory_space<semaphore_mem>>) src(%arg12 : memref<125x16xf32, #tpu.memory_space<vmem>>) dst(%dma_wait3A_274 : memref<10240x16xf32, #tpu.memory_space<vmem_shared>>)
      %dma_wait3A_275 = arith.constant 0 : i32
      %dma_wait3A_276 = arith.constant 0 : i32
      %dma_wait3A_277 = arith.constant 0 : i32
      %dma_wait3A_278 = tpu.memref_slice %arg3[%add3A, %dma_wait3A_275, %dma_wait3A_276, %dma_wait3A_277] : memref<32x80x2x125xi32, #tpu.memory_space<hbm>> -> memref<1x80x2x125xi32, #tpu.memory_space<hbm>>
      %dma_wait3A_279 = tpu.memref_squeeze %dma_wait3A_278 : memref<1x80x2x125xi32, #tpu.memory_space<hbm>> -> memref<80x2x125xi32, #tpu.memory_space<hbm>>
      %dma_wait3A_280 = arith.constant 0 : i32
      %dma_wait3A_281 = arith.constant 0 : i32
      %dma_wait3A_282 = tpu.memref_slice %dma_wait3A_279[%add3A_253, %dma_wait3A_280, %dma_wait3A_281] : memref<80x2x125xi32, #tpu.memory_space<hbm>> -> memref<1x2x125xi32, #tpu.memory_space<hbm>>
      %dma_wait3A_283 = tpu.memref_squeeze %dma_wait3A_282 : memref<1x2x125xi32, #tpu.memory_space<hbm>> -> memref<2x125xi32, #tpu.memory_space<hbm>>
      %dma_wait3A_284 = arith.constant 0 : i32
      %dma_wait3A_285 = arith.constant 0 : i32
      %dma_wait3A_286 = arith.constant 0 : i32
      %dma_wait3A_287 = tpu.memref_slice %arg3[%add3A, %dma_wait3A_284, %dma_wait3A_285, %dma_wait3A_286] : memref<32x80x2x125xi32, #tpu.memory_space<hbm>> -> memref<1x80x2x125xi32, #tpu.memory_space<hbm>>
      %dma_wait3A_288 = tpu.memref_squeeze %dma_wait3A_287 : memref<1x80x2x125xi32, #tpu.memory_space<hbm>> -> memref<80x2x125xi32, #tpu.memory_space<hbm>>
      %dma_wait3A_289 = arith.constant 0 : i32
      %dma_wait3A_290 = arith.constant 0 : i32
      %dma_wait3A_291 = tpu.memref_slice %dma_wait3A_288[%add3A_253, %dma_wait3A_289, %dma_wait3A_290] : memref<80x2x125xi32, #tpu.memory_space<hbm>> -> memref<1x2x125xi32, #tpu.memory_space<hbm>>
      %dma_wait3A_292 = tpu.memref_squeeze %dma_wait3A_291 : memref<1x2x125xi32, #tpu.memory_space<hbm>> -> memref<2x125xi32, #tpu.memory_space<hbm>>
      tpu.wait_dma2 semaphore(%arg17 : memref<!tpu.dma_semaphore, #tpu.memory_space<semaphore_mem>>) src(%dma_wait3A_292 : memref<2x125xi32, #tpu.memory_space<hbm>>) dst(%arg9 : memref<2x125xi32, #tpu.memory_space<vmem>>)
      %dma_start3A_293 = arith.constant 0 : i32
      %dma_start3A_294 = arith.constant 0 : i32
      %dma_start3A_295 = tpu.memref_slice %arg9[%dma_start3A_293, %dma_start3A_294] : memref<2x125xi32, #tpu.memory_space<vmem>> -> memref<1x125xi32, #tpu.memory_space<vmem>>
      %dma_start3A_296 = tpu.memref_squeeze %dma_start3A_295 : memref<1x125xi32, #tpu.memory_space<vmem>> -> memref<125xi32, #tpu.memory_space<vmem>>
      %dma_start3A_297 = arith.constant 0 : i32
      %dma_start3A_298 = arith.constant 0 : i32
      %dma_start3A_299 = tpu.memref_slice %arg2[%dma_start3A_297, %dma_start3A_298] : memref<10000x128xf32, #tpu.memory_space<hbm>> -> memref<10000x128xf32, #tpu.memory_space<hbm>>
      tpu.enqueue_indirect_dma source(%dma_start3A_299 : memref<10000x128xf32, #tpu.memory_space<hbm>>) target(%arg11 : memref<125x128xf32, #tpu.memory_space<vmem>>) offsets(%dma_start3A_296 : memref<125xi32, #tpu.memory_space<vmem>>) semaphore(%arg19 : memref<!tpu.dma_semaphore, #tpu.memory_space<semaphore_mem>>)
      %dma_start3A_300 = arith.constant 1 : i32
      %dma_start3A_301 = arith.constant 0 : i32
      %dma_start3A_302 = tpu.memref_slice %arg8[%dma_start3A_300, %dma_start3A_301] : memref<2x125xi32, #tpu.memory_space<vmem>> -> memref<1x125xi32, #tpu.memory_space<vmem>>
      %dma_start3A_303 = tpu.memref_squeeze %dma_start3A_302 : memref<1x125xi32, #tpu.memory_space<vmem>> -> memref<125xi32, #tpu.memory_space<vmem>>
      %dma_start3A_304 = arith.constant 0 : i32
      %dma_start3A_305 = arith.constant 0 : i32
      %dma_start3A_306 = tpu.memref_slice %arg14[%dma_start3A_304, %dma_start3A_305] : memref<10240x128xf32, #tpu.memory_space<vmem_shared>> -> memref<10240x128xf32, #tpu.memory_space<vmem_shared>>
      tpu.enqueue_indirect_dma source(%arg10 : memref<125x128xf32, #tpu.memory_space<vmem>>) target(%dma_start3A_306 : memref<10240x128xf32, #tpu.memory_space<vmem_shared>>) offsets(%dma_start3A_303 : memref<125xi32, #tpu.memory_space<vmem>>) semaphore(%arg20 : memref<!tpu.dma_semaphore, #tpu.memory_space<semaphore_mem>>) {add = true}
      %dma_start3A_307 = arith.constant 1 : i32
      %dma_start3A_308 = arith.constant 0 : i32
      %dma_start3A_309 = tpu.memref_slice %arg8[%dma_start3A_307, %dma_start3A_308] : memref<2x125xi32, #tpu.memory_space<vmem>> -> memref<1x125xi32, #tpu.memory_space<vmem>>
      %dma_start3A_310 = tpu.memref_squeeze %dma_start3A_309 : memref<1x125xi32, #tpu.memory_space<vmem>> -> memref<125xi32, #tpu.memory_space<vmem>>
      %dma_start3A_311 = arith.constant 0 : i32
      %dma_start3A_312 = arith.constant 0 : i32
      %dma_start3A_313 = tpu.memref_slice %arg15[%dma_start3A_311, %dma_start3A_312] : memref<10240x16xf32, #tpu.memory_space<vmem_shared>> -> memref<10240x16xf32, #tpu.memory_space<vmem_shared>>
      tpu.enqueue_indirect_dma source(%arg12 : memref<125x16xf32, #tpu.memory_space<vmem>>) target(%dma_start3A_313 : memref<10240x16xf32, #tpu.memory_space<vmem_shared>>) offsets(%dma_start3A_310 : memref<125xi32, #tpu.memory_space<vmem>>) semaphore(%arg20 : memref<!tpu.dma_semaphore, #tpu.memory_space<semaphore_mem>>) {add = true}
      %lt3A_314 = arith.constant 19 : i32
      %lt3A_315 = arith.cmpi slt, %scan3A_109, %lt3A_314 : i32
      %convert_element_type3A_316 = arith.extui %lt3A_315 : i1 to i32
      %cond3A_317 = arith.constant 0 : i32
      %cond3A_318 = arith.cmpi ne, %convert_element_type3A_316, %cond3A_317 : i32
      scf.if %cond3A_318 {
        %add3A_368 = arith.constant 3 : i32
        %add3A_369 = arith.addi %add3A_253, %add3A_368 : i32
        %dma_start3A_370 = arith.constant 0 : i32
        %dma_start3A_371 = arith.constant 0 : i32
        %dma_start3A_372 = arith.constant 0 : i32
        %dma_start3A_373 = tpu.memref_slice %arg3[%add3A, %dma_start3A_370, %dma_start3A_371, %dma_start3A_372] : memref<32x80x2x125xi32, #tpu.memory_space<hbm>> -> memref<1x80x2x125xi32, #tpu.memory_space<hbm>>
        %dma_start3A_374 = tpu.memref_squeeze %dma_start3A_373 : memref<1x80x2x125xi32, #tpu.memory_space<hbm>> -> memref<80x2x125xi32, #tpu.memory_space<hbm>>
        %dma_start3A_375 = arith.constant 0 : i32
        %dma_start3A_376 = arith.constant 0 : i32
        %dma_start3A_377 = tpu.memref_slice %dma_start3A_374[%add3A_369, %dma_start3A_375, %dma_start3A_376] : memref<80x2x125xi32, #tpu.memory_space<hbm>> -> memref<1x2x125xi32, #tpu.memory_space<hbm>>
        %dma_start3A_378 = tpu.memref_squeeze %dma_start3A_377 : memref<1x2x125xi32, #tpu.memory_space<hbm>> -> memref<2x125xi32, #tpu.memory_space<hbm>>
        %dma_start3A_379 = arith.constant 0 : i32
        %dma_start3A_380 = arith.constant 0 : i32
        %dma_start3A_381 = arith.constant 0 : i32
        %dma_start3A_382 = tpu.memref_slice %arg3[%add3A, %dma_start3A_379, %dma_start3A_380, %dma_start3A_381] : memref<32x80x2x125xi32, #tpu.memory_space<hbm>> -> memref<1x80x2x125xi32, #tpu.memory_space<hbm>>
        %dma_start3A_383 = tpu.memref_squeeze %dma_start3A_382 : memref<1x80x2x125xi32, #tpu.memory_space<hbm>> -> memref<80x2x125xi32, #tpu.memory_space<hbm>>
        %dma_start3A_384 = arith.constant 0 : i32
        %dma_start3A_385 = arith.constant 0 : i32
        %dma_start3A_386 = tpu.memref_slice %dma_start3A_383[%add3A_369, %dma_start3A_384, %dma_start3A_385] : memref<80x2x125xi32, #tpu.memory_space<hbm>> -> memref<1x2x125xi32, #tpu.memory_space<hbm>>
        %dma_start3A_387 = tpu.memref_squeeze %dma_start3A_386 : memref<1x2x125xi32, #tpu.memory_space<hbm>> -> memref<2x125xi32, #tpu.memory_space<hbm>>
        tpu.enqueue_dma source(%dma_start3A_387 : memref<2x125xi32, #tpu.memory_space<hbm>>) target(%arg7 : memref<2x125xi32, #tpu.memory_space<vmem>>) target_semaphore(%arg17 : memref<!tpu.dma_semaphore, #tpu.memory_space<semaphore_mem>>)
      } else {
      }
      %mul3A_319 = arith.constant 4 : i32
      %mul3A_320 = arith.muli %mul3A_319, %scan3A_109 : i32
      %add3A_321 = arith.constant 3 : i32
      %add3A_322 = arith.addi %mul3A_320, %add3A_321 : i32
      %dma_wait3A_323 = arith.constant 0 : i32
      %dma_wait3A_324 = arith.constant 0 : i32
      %dma_wait3A_325 = tpu.memref_slice %arg9[%dma_wait3A_323, %dma_wait3A_324] : memref<2x125xi32, #tpu.memory_space<vmem>> -> memref<1x125xi32, #tpu.memory_space<vmem>>
      %dma_wait3A_326 = tpu.memref_squeeze %dma_wait3A_325 : memref<1x125xi32, #tpu.memory_space<vmem>> -> memref<125xi32, #tpu.memory_space<vmem>>
      %dma_wait3A_327 = arith.constant 0 : i32
      %dma_wait3A_328 = arith.constant 0 : i32
      %dma_wait3A_329 = tpu.memref_slice %arg2[%dma_wait3A_327, %dma_wait3A_328] : memref<10000x128xf32, #tpu.memory_space<hbm>> -> memref<10000x128xf32, #tpu.memory_space<hbm>>
      tpu.wait_indirect_dma semaphore(%arg19 : memref<!tpu.dma_semaphore, #tpu.memory_space<semaphore_mem>>) src(%dma_wait3A_329 : memref<10000x128xf32, #tpu.memory_space<hbm>>) dst(%arg11 : memref<125x128xf32, #tpu.memory_space<vmem>>)
      %dma_wait3A_330 = arith.constant 1 : i32
      %dma_wait3A_331 = arith.constant 0 : i32
      %dma_wait3A_332 = tpu.memref_slice %arg8[%dma_wait3A_330, %dma_wait3A_331] : memref<2x125xi32, #tpu.memory_space<vmem>> -> memref<1x125xi32, #tpu.memory_space<vmem>>
      %dma_wait3A_333 = tpu.memref_squeeze %dma_wait3A_332 : memref<1x125xi32, #tpu.memory_space<vmem>> -> memref<125xi32, #tpu.memory_space<vmem>>
      %dma_wait3A_334 = arith.constant 0 : i32
      %dma_wait3A_335 = arith.constant 0 : i32
      %dma_wait3A_336 = tpu.memref_slice %arg14[%dma_wait3A_334, %dma_wait3A_335] : memref<10240x128xf32, #tpu.memory_space<vmem_shared>> -> memref<10240x128xf32, #tpu.memory_space<vmem_shared>>
      tpu.wait_indirect_dma semaphore(%arg20 : memref<!tpu.dma_semaphore, #tpu.memory_space<semaphore_mem>>) src(%arg10 : memref<125x128xf32, #tpu.memory_space<vmem>>) dst(%dma_wait3A_336 : memref<10240x128xf32, #tpu.memory_space<vmem_shared>>)
      %dma_wait3A_337 = arith.constant 1 : i32
      %dma_wait3A_338 = arith.constant 0 : i32
      %dma_wait3A_339 = tpu.memref_slice %arg8[%dma_wait3A_337, %dma_wait3A_338] : memref<2x125xi32, #tpu.memory_space<vmem>> -> memref<1x125xi32, #tpu.memory_space<vmem>>
      %dma_wait3A_340 = tpu.memref_squeeze %dma_wait3A_339 : memref<1x125xi32, #tpu.memory_space<vmem>> -> memref<125xi32, #tpu.memory_space<vmem>>
      %dma_wait3A_341 = arith.constant 0 : i32
      %dma_wait3A_342 = arith.constant 0 : i32
      %dma_wait3A_343 = tpu.memref_slice %arg15[%dma_wait3A_341, %dma_wait3A_342] : memref<10240x16xf32, #tpu.memory_space<vmem_shared>> -> memref<10240x16xf32, #tpu.memory_space<vmem_shared>>
      tpu.wait_indirect_dma semaphore(%arg20 : memref<!tpu.dma_semaphore, #tpu.memory_space<semaphore_mem>>) src(%arg12 : memref<125x16xf32, #tpu.memory_space<vmem>>) dst(%dma_wait3A_343 : memref<10240x16xf32, #tpu.memory_space<vmem_shared>>)
      %lt3A_344 = arith.constant 19 : i32
      %lt3A_345 = arith.cmpi slt, %scan3A_109, %lt3A_344 : i32
      %convert_element_type3A_346 = arith.extui %lt3A_345 : i1 to i32
      %cond3A_347 = arith.constant 0 : i32
      %cond3A_348 = arith.cmpi ne, %convert_element_type3A_346, %cond3A_347 : i32
      scf.if %cond3A_348 {
        %dma_wait3A_368 = arith.constant 0 : i32
        %dma_wait3A_369 = arith.constant 0 : i32
        %dma_wait3A_370 = arith.constant 0 : i32
        %dma_wait3A_371 = tpu.memref_slice %arg3[%add3A, %dma_wait3A_368, %dma_wait3A_369, %dma_wait3A_370] : memref<32x80x2x125xi32, #tpu.memory_space<hbm>> -> memref<1x80x2x125xi32, #tpu.memory_space<hbm>>
        %dma_wait3A_372 = tpu.memref_squeeze %dma_wait3A_371 : memref<1x80x2x125xi32, #tpu.memory_space<hbm>> -> memref<80x2x125xi32, #tpu.memory_space<hbm>>
        %dma_wait3A_373 = arith.constant 0 : i32
        %dma_wait3A_374 = arith.constant 0 : i32
        %dma_wait3A_375 = tpu.memref_slice %dma_wait3A_372[%add3A_322, %dma_wait3A_373, %dma_wait3A_374] : memref<80x2x125xi32, #tpu.memory_space<hbm>> -> memref<1x2x125xi32, #tpu.memory_space<hbm>>
        %dma_wait3A_376 = tpu.memref_squeeze %dma_wait3A_375 : memref<1x2x125xi32, #tpu.memory_space<hbm>> -> memref<2x125xi32, #tpu.memory_space<hbm>>
        %dma_wait3A_377 = arith.constant 0 : i32
        %dma_wait3A_378 = arith.constant 0 : i32
        %dma_wait3A_379 = arith.constant 0 : i32
        %dma_wait3A_380 = tpu.memref_slice %arg3[%add3A, %dma_wait3A_377, %dma_wait3A_378, %dma_wait3A_379] : memref<32x80x2x125xi32, #tpu.memory_space<hbm>> -> memref<1x80x2x125xi32, #tpu.memory_space<hbm>>
        %dma_wait3A_381 = tpu.memref_squeeze %dma_wait3A_380 : memref<1x80x2x125xi32, #tpu.memory_space<hbm>> -> memref<80x2x125xi32, #tpu.memory_space<hbm>>
        %dma_wait3A_382 = arith.constant 0 : i32
        %dma_wait3A_383 = arith.constant 0 : i32
        %dma_wait3A_384 = tpu.memref_slice %dma_wait3A_381[%add3A_322, %dma_wait3A_382, %dma_wait3A_383] : memref<80x2x125xi32, #tpu.memory_space<hbm>> -> memref<1x2x125xi32, #tpu.memory_space<hbm>>
        %dma_wait3A_385 = tpu.memref_squeeze %dma_wait3A_384 : memref<1x2x125xi32, #tpu.memory_space<hbm>> -> memref<2x125xi32, #tpu.memory_space<hbm>>
        tpu.wait_dma2 semaphore(%arg16 : memref<!tpu.dma_semaphore, #tpu.memory_space<semaphore_mem>>) src(%dma_wait3A_385 : memref<2x125xi32, #tpu.memory_space<hbm>>) dst(%arg6 : memref<2x125xi32, #tpu.memory_space<vmem>>)
        %dma_start3A_386 = arith.constant 0 : i32
        %dma_start3A_387 = arith.constant 0 : i32
        %dma_start3A_388 = tpu.memref_slice %arg6[%dma_start3A_386, %dma_start3A_387] : memref<2x125xi32, #tpu.memory_space<vmem>> -> memref<1x125xi32, #tpu.memory_space<vmem>>
        %dma_start3A_389 = tpu.memref_squeeze %dma_start3A_388 : memref<1x125xi32, #tpu.memory_space<vmem>> -> memref<125xi32, #tpu.memory_space<vmem>>
        %dma_start3A_390 = arith.constant 0 : i32
        %dma_start3A_391 = arith.constant 0 : i32
        %dma_start3A_392 = tpu.memref_slice %arg2[%dma_start3A_390, %dma_start3A_391] : memref<10000x128xf32, #tpu.memory_space<hbm>> -> memref<10000x128xf32, #tpu.memory_space<hbm>>
        tpu.enqueue_indirect_dma source(%dma_start3A_392 : memref<10000x128xf32, #tpu.memory_space<hbm>>) target(%arg10 : memref<125x128xf32, #tpu.memory_space<vmem>>) offsets(%dma_start3A_389 : memref<125xi32, #tpu.memory_space<vmem>>) semaphore(%arg18 : memref<!tpu.dma_semaphore, #tpu.memory_space<semaphore_mem>>)
      } else {
      }
      %dma_start3A_349 = arith.constant 1 : i32
      %dma_start3A_350 = arith.constant 0 : i32
      %dma_start3A_351 = tpu.memref_slice %arg9[%dma_start3A_349, %dma_start3A_350] : memref<2x125xi32, #tpu.memory_space<vmem>> -> memref<1x125xi32, #tpu.memory_space<vmem>>
      %dma_start3A_352 = tpu.memref_squeeze %dma_start3A_351 : memref<1x125xi32, #tpu.memory_space<vmem>> -> memref<125xi32, #tpu.memory_space<vmem>>
      %dma_start3A_353 = arith.constant 0 : i32
      %dma_start3A_354 = arith.constant 0 : i32
      %dma_start3A_355 = tpu.memref_slice %arg14[%dma_start3A_353, %dma_start3A_354] : memref<10240x128xf32, #tpu.memory_space<vmem_shared>> -> memref<10240x128xf32, #tpu.memory_space<vmem_shared>>
      tpu.enqueue_indirect_dma source(%arg11 : memref<125x128xf32, #tpu.memory_space<vmem>>) target(%dma_start3A_355 : memref<10240x128xf32, #tpu.memory_space<vmem_shared>>) offsets(%dma_start3A_352 : memref<125xi32, #tpu.memory_space<vmem>>) semaphore(%arg21 : memref<!tpu.dma_semaphore, #tpu.memory_space<semaphore_mem>>) {add = true}
      %dma_start3A_356 = arith.constant 1 : i32
      %dma_start3A_357 = arith.constant 0 : i32
      %dma_start3A_358 = tpu.memref_slice %arg9[%dma_start3A_356, %dma_start3A_357] : memref<2x125xi32, #tpu.memory_space<vmem>> -> memref<1x125xi32, #tpu.memory_space<vmem>>
      %dma_start3A_359 = tpu.memref_squeeze %dma_start3A_358 : memref<1x125xi32, #tpu.memory_space<vmem>> -> memref<125xi32, #tpu.memory_space<vmem>>
      %dma_start3A_360 = arith.constant 0 : i32
      %dma_start3A_361 = arith.constant 0 : i32
      %dma_start3A_362 = tpu.memref_slice %arg15[%dma_start3A_360, %dma_start3A_361] : memref<10240x16xf32, #tpu.memory_space<vmem_shared>> -> memref<10240x16xf32, #tpu.memory_space<vmem_shared>>
      tpu.enqueue_indirect_dma source(%arg12 : memref<125x16xf32, #tpu.memory_space<vmem>>) target(%dma_start3A_362 : memref<10240x16xf32, #tpu.memory_space<vmem_shared>>) offsets(%dma_start3A_359 : memref<125xi32, #tpu.memory_space<vmem>>) semaphore(%arg21 : memref<!tpu.dma_semaphore, #tpu.memory_space<semaphore_mem>>) {add = true}
      %lt3A_363 = arith.constant 19 : i32
      %lt3A_364 = arith.cmpi slt, %scan3A_109, %lt3A_363 : i32
      %convert_element_type3A_365 = arith.extui %lt3A_364 : i1 to i32
      %cond3A_366 = arith.constant 0 : i32
      %cond3A_367 = arith.cmpi ne, %convert_element_type3A_365, %cond3A_366 : i32
      scf.if %cond3A_367 {
        %add3A_368 = arith.constant 3 : i32
        %add3A_369 = arith.addi %add3A_322, %add3A_368 : i32
        %dma_start3A_370 = arith.constant 0 : i32
        %dma_start3A_371 = arith.constant 0 : i32
        %dma_start3A_372 = arith.constant 0 : i32
        %dma_start3A_373 = tpu.memref_slice %arg3[%add3A, %dma_start3A_370, %dma_start3A_371, %dma_start3A_372] : memref<32x80x2x125xi32, #tpu.memory_space<hbm>> -> memref<1x80x2x125xi32, #tpu.memory_space<hbm>>
        %dma_start3A_374 = tpu.memref_squeeze %dma_start3A_373 : memref<1x80x2x125xi32, #tpu.memory_space<hbm>> -> memref<80x2x125xi32, #tpu.memory_space<hbm>>
        %dma_start3A_375 = arith.constant 0 : i32
        %dma_start3A_376 = arith.constant 0 : i32
        %dma_start3A_377 = tpu.memref_slice %dma_start3A_374[%add3A_369, %dma_start3A_375, %dma_start3A_376] : memref<80x2x125xi32, #tpu.memory_space<hbm>> -> memref<1x2x125xi32, #tpu.memory_space<hbm>>
        %dma_start3A_378 = tpu.memref_squeeze %dma_start3A_377 : memref<1x2x125xi32, #tpu.memory_space<hbm>> -> memref<2x125xi32, #tpu.memory_space<hbm>>
        %dma_start3A_379 = arith.constant 0 : i32
        %dma_start3A_380 = arith.constant 0 : i32
        %dma_start3A_381 = arith.constant 0 : i32
        %dma_start3A_382 = tpu.memref_slice %arg3[%add3A, %dma_start3A_379, %dma_start3A_380, %dma_start3A_381] : memref<32x80x2x125xi32, #tpu.memory_space<hbm>> -> memref<1x80x2x125xi32, #tpu.memory_space<hbm>>
        %dma_start3A_383 = tpu.memref_squeeze %dma_start3A_382 : memref<1x80x2x125xi32, #tpu.memory_space<hbm>> -> memref<80x2x125xi32, #tpu.memory_space<hbm>>
        %dma_start3A_384 = arith.constant 0 : i32
        %dma_start3A_385 = arith.constant 0 : i32
        %dma_start3A_386 = tpu.memref_slice %dma_start3A_383[%add3A_369, %dma_start3A_384, %dma_start3A_385] : memref<80x2x125xi32, #tpu.memory_space<hbm>> -> memref<1x2x125xi32, #tpu.memory_space<hbm>>
        %dma_start3A_387 = tpu.memref_squeeze %dma_start3A_386 : memref<1x2x125xi32, #tpu.memory_space<hbm>> -> memref<2x125xi32, #tpu.memory_space<hbm>>
        tpu.enqueue_dma source(%dma_start3A_387 : memref<2x125xi32, #tpu.memory_space<hbm>>) target(%arg8 : memref<2x125xi32, #tpu.memory_space<vmem>>) target_semaphore(%arg16 : memref<!tpu.dma_semaphore, #tpu.memory_space<semaphore_mem>>)
      } else {
      }
    }
    %scan3A_88 = arith.constant 20 : i32
    %dma_wait3A = arith.constant 1 : i32
    %dma_wait3A_89 = arith.constant 0 : i32
    %dma_wait3A_90 = tpu.memref_slice %arg9[%dma_wait3A, %dma_wait3A_89] : memref<2x125xi32, #tpu.memory_space<vmem>> -> memref<1x125xi32, #tpu.memory_space<vmem>>
    %dma_wait3A_91 = tpu.memref_squeeze %dma_wait3A_90 : memref<1x125xi32, #tpu.memory_space<vmem>> -> memref<125xi32, #tpu.memory_space<vmem>>
    %dma_wait3A_92 = arith.constant 0 : i32
    %dma_wait3A_93 = arith.constant 0 : i32
    %dma_wait3A_94 = tpu.memref_slice %arg14[%dma_wait3A_92, %dma_wait3A_93] : memref<10240x128xf32, #tpu.memory_space<vmem_shared>> -> memref<10240x128xf32, #tpu.memory_space<vmem_shared>>
    tpu.wait_indirect_dma semaphore(%arg21 : memref<!tpu.dma_semaphore, #tpu.memory_space<semaphore_mem>>) src(%arg11 : memref<125x128xf32, #tpu.memory_space<vmem>>) dst(%dma_wait3A_94 : memref<10240x128xf32, #tpu.memory_space<vmem_shared>>)
    %dma_wait3A_95 = arith.constant 1 : i32
    %dma_wait3A_96 = arith.constant 0 : i32
    %dma_wait3A_97 = tpu.memref_slice %arg9[%dma_wait3A_95, %dma_wait3A_96] : memref<2x125xi32, #tpu.memory_space<vmem>> -> memref<1x125xi32, #tpu.memory_space<vmem>>
    %dma_wait3A_98 = tpu.memref_squeeze %dma_wait3A_97 : memref<1x125xi32, #tpu.memory_space<vmem>> -> memref<125xi32, #tpu.memory_space<vmem>>
    %dma_wait3A_99 = arith.constant 0 : i32
    %dma_wait3A_100 = arith.constant 0 : i32
    %dma_wait3A_101 = tpu.memref_slice %arg15[%dma_wait3A_99, %dma_wait3A_100] : memref<10240x16xf32, #tpu.memory_space<vmem_shared>> -> memref<10240x16xf32, #tpu.memory_space<vmem_shared>>
    tpu.wait_indirect_dma semaphore(%arg21 : memref<!tpu.dma_semaphore, #tpu.memory_space<semaphore_mem>>) src(%arg12 : memref<125x16xf32, #tpu.memory_space<vmem>>) dst(%dma_wait3A_101 : memref<10240x16xf32, #tpu.memory_space<vmem_shared>>)
    %barrier3A_102 = arith.constant 0 : index
    tpu.barrier barrier_id(%barrier3A_102)
    %mul3A_103 = arith.constant 10240 : i32
    %mul3A_104 = arith.muli %arg0, %mul3A_103 : i32
    %add3A_105 = arith.addi %mul3A_104, %mul3A_16 : i32
    "tpu.region"() ({
      %run_scoped3A_109 = tpu.sem_alloc : memref<!tpu.dma_semaphore, #tpu.memory_space<semaphore_mem>>
      %dma_start3A_110 = arith.constant 0 : i32
      %dma_start3A_111 = tpu.memref_slice %arg4[%add3A_105, %dma_start3A_110] : memref<20480x128xf32, #tpu.memory_space<hbm>> -> memref<640x128xf32, #tpu.memory_space<hbm>>
      %dma_start3A_112 = arith.constant 0 : i32
      %dma_start3A_113 = tpu.memref_slice %arg14[%mul3A_16, %dma_start3A_112] : memref<10240x128xf32, #tpu.memory_space<vmem_shared>> -> memref<640x128xf32, #tpu.memory_space<vmem_shared>>
      tpu.enqueue_dma source(%dma_start3A_113 : memref<640x128xf32, #tpu.memory_space<vmem_shared>>) target(%dma_start3A_111 : memref<640x128xf32, #tpu.memory_space<hbm>>) target_semaphore(%run_scoped3A_109 : memref<!tpu.dma_semaphore, #tpu.memory_space<semaphore_mem>>)
      %dma_wait3A_114 = arith.constant 0 : i32
      %dma_wait3A_115 = tpu.memref_slice %arg4[%add3A_105, %dma_wait3A_114] : memref<20480x128xf32, #tpu.memory_space<hbm>> -> memref<640x128xf32, #tpu.memory_space<hbm>>
      %dma_wait3A_116 = arith.constant 0 : i32
      %dma_wait3A_117 = tpu.memref_slice %arg14[%mul3A_16, %dma_wait3A_116] : memref<10240x128xf32, #tpu.memory_space<vmem_shared>> -> memref<640x128xf32, #tpu.memory_space<vmem_shared>>
      tpu.wait_dma2 semaphore(%run_scoped3A_109 : memref<!tpu.dma_semaphore, #tpu.memory_space<semaphore_mem>>) src(%dma_wait3A_117 : memref<640x128xf32, #tpu.memory_space<vmem_shared>>) dst(%dma_wait3A_115 : memref<640x128xf32, #tpu.memory_space<hbm>>)
      tpu.yield
    }) : () -> ()
    %mul3A_106 = arith.constant 10240 : i32
    %mul3A_107 = arith.muli %arg0, %mul3A_106 : i32
    %add3A_108 = arith.addi %mul3A_107, %mul3A_16 : i32
    "tpu.region"() ({
      %run_scoped3A_109 = tpu.sem_alloc : memref<!tpu.dma_semaphore, #tpu.memory_space<semaphore_mem>>
      %dma_start3A_110 = arith.constant 0 : i32
      %dma_start3A_111 = tpu.memref_slice %arg5[%add3A_108, %dma_start3A_110] : memref<20480x16xf32, #tpu.memory_space<hbm>> -> memref<640x16xf32, #tpu.memory_space<hbm>>
      %dma_start3A_112 = arith.constant 0 : i32
      %dma_start3A_113 = tpu.memref_slice %arg15[%mul3A_16, %dma_start3A_112] : memref<10240x16xf32, #tpu.memory_space<vmem_shared>> -> memref<640x16xf32, #tpu.memory_space<vmem_shared>>
      tpu.enqueue_dma source(%dma_start3A_113 : memref<640x16xf32, #tpu.memory_space<vmem_shared>>) target(%dma_start3A_111 : memref<640x16xf32, #tpu.memory_space<hbm>>) target_semaphore(%run_scoped3A_109 : memref<!tpu.dma_semaphore, #tpu.memory_space<semaphore_mem>>)
      %dma_wait3A_114 = arith.constant 0 : i32
      %dma_wait3A_115 = tpu.memref_slice %arg5[%add3A_108, %dma_wait3A_114] : memref<20480x16xf32, #tpu.memory_space<hbm>> -> memref<640x16xf32, #tpu.memory_space<hbm>>
      %dma_wait3A_116 = arith.constant 0 : i32
      %dma_wait3A_117 = tpu.memref_slice %arg15[%mul3A_16, %dma_wait3A_116] : memref<10240x16xf32, #tpu.memory_space<vmem_shared>> -> memref<640x16xf32, #tpu.memory_space<vmem_shared>>
      tpu.wait_dma2 semaphore(%run_scoped3A_109 : memref<!tpu.dma_semaphore, #tpu.memory_space<semaphore_mem>>) src(%dma_wait3A_117 : memref<640x16xf32, #tpu.memory_space<vmem_shared>>) dst(%dma_wait3A_115 : memref<640x16xf32, #tpu.memory_space<hbm>>)
      tpu.yield
    }) : () -> ()
    return
  }
}

module attributes {stable_mosaic.version = 14 : i64} {
  func.func @body(%arg0: i32, %arg1: memref<1000x128xf32, #tpu.memory_space<vmem>>, %arg2: memref<128x128xf32, #tpu.memory_space<vmem>>, %arg3: memref<1x128xf32, #tpu.memory_space<vmem>>, %arg4: memref<1000x128xf32, #tpu.memory_space<vmem>>) attributes {dimension_semantics = [#tpu.dimension_semantics<arbitrary>], iteration_bounds = array<i64: 10>, scalar_prefetch = 0 : i64, scratch_operands = 0 : i64, tpu.core_type = #tpu.core_type<tc>, window_params = [{transform_indices = @transform_0, window_bounds = array<i64: 1000, 128>}, {pipeline_mode = #tpu.pipeline_mode<synchronous>, transform_indices = @transform_1, window_bounds = array<i64: 128, 128>}, {pipeline_mode = #tpu.pipeline_mode<synchronous>, transform_indices = @transform_2, window_bounds = array<i64: 1, 128>}, {transform_indices = @transform_3, window_bounds = array<i64: 1000, 128>}]} {
    %get3A = arith.constant 0 : index
    %get3A_0 = arith.constant 0 : index
    %get3A_1 = vector.load %arg1[%get3A, %get3A_0] : memref<1000x128xf32, #tpu.memory_space<vmem>>, vector<1000x128xf32>
    %get3A_2 = arith.constant 0 : index
    %get3A_3 = arith.constant 0 : index
    %get3A_4 = vector.load %arg2[%get3A_2, %get3A_3] : memref<128x128xf32, #tpu.memory_space<vmem>>, vector<128x128xf32>
    %dot_general3A = arith.constant dense<0.000000e+00> : vector<1000x128xf32>
    %dot_general3A_5 = tpu.matmul %get3A_1, %get3A_4, %dot_general3A {dimension_numbers = #tpu.dot_dimension_numbers<[1], [0], [0], [1], [0, 0, 1, 1], [], []>, transpose_lhs_hint = false} : vector<1000x128xf32>, vector<128x128xf32>, vector<1000x128xf32> -> vector<1000x128xf32>
    %get3A_6 = arith.constant 0 : index
    %get3A_7 = arith.constant 0 : index
    %get3A_8 = vector.load %arg3[%get3A_6, %get3A_7] : memref<1x128xf32, #tpu.memory_space<vmem>>, vector<1x128xf32>
    %add3A = vector.broadcast %get3A_8 : vector<1x128xf32> to vector<1000x128xf32>
    %add3A_9 = arith.addf %dot_general3A_5, %add3A : vector<1000x128xf32>
    %swap3A = arith.constant 0 : index
    %swap3A_10 = arith.constant 0 : index
    %swap3A_11 = vector.load %arg4[%swap3A, %swap3A_10] : memref<1000x128xf32, #tpu.memory_space<vmem>>, vector<1000x128xf32>
    tpu.vector_store %arg4[%swap3A, %swap3A_10], %add3A_9 {strides = array<i32>} : memref<1000x128xf32, #tpu.memory_space<vmem>>, vector<1000x128xf32>,
    return
  }
  func.func @transform_0(%arg0: i32) -> (i32, i32) {
    %c0_i32 = arith.constant 0 : i32
    %c0_i32_0 = arith.constant 0 : i32
    return %arg0, %c0_i32 : i32, i32
  }
  func.func @transform_1(%arg0: i32) -> (i32, i32) {
    %c0_i32 = arith.constant 0 : i32
    %c0_i32_0 = arith.constant 0 : i32
    %c0_i32_1 = arith.constant 0 : i32
    return %c0_i32, %c0_i32_0 : i32, i32
  }
  func.func @transform_2(%arg0: i32) -> (i32, i32) {
    %c0_i32 = arith.constant 0 : i32
    %c0_i32_0 = arith.constant 0 : i32
    %c0_i32_1 = arith.constant 0 : i32
    return %c0_i32, %c0_i32_0 : i32, i32
  }
  func.func @transform_3(%arg0: i32) -> (i32, i32) {
    %c0_i32 = arith.constant 0 : i32
    %c0_i32_0 = arith.constant 0 : i32
    return %arg0, %c0_i32 : i32, i32
  }
}

module attributes {stable_mosaic.version = 14 : i64} {
  func.func @body(%arg0: i32, %arg1: memref<1000x128xf32, #tpu.memory_space<vmem>>, %arg2: memref<2x1000x128xf32, #tpu.memory_space<vmem>>, %arg3: memref<2x1000x16xf32, #tpu.memory_space<vmem>>, %arg4: memref<128x128xf32, #tpu.memory_space<vmem>>, %arg5: memref<1000x128xf32, #tpu.memory_space<vmem>>) attributes {dimension_semantics = [#tpu.dimension_semantics<arbitrary>], iteration_bounds = array<i64: 10>, scalar_prefetch = 0 : i64, scratch_operands = 0 : i64, tpu.core_type = #tpu.core_type<tc>, window_params = [{transform_indices = @transform_0, window_bounds = array<i64: 1000, 128>}, {transform_indices = @transform_1, window_bounds = array<i64: 2, 1000, 128>}, {transform_indices = @transform_2, window_bounds = array<i64: 2, 1000, 16>}, {pipeline_mode = #tpu.pipeline_mode<synchronous>, transform_indices = @transform_3, window_bounds = array<i64: 128, 128>}, {transform_indices = @transform_4, window_bounds = array<i64: 1000, 128>}]} {
    %get3A = arith.constant 0 : index
    %get3A_0 = arith.constant 0 : index
    %get3A_1 = arith.constant 0 : index
    %get3A_2 = vector.load %arg2[%get3A, %get3A_0, %get3A_1] : memref<2x1000x128xf32, #tpu.memory_space<vmem>>, vector<2x1000x128xf32>
    %get3A_3 = arith.constant 0 : index
    %get3A_4 = arith.constant 0 : index
    %get3A_5 = arith.constant 0 : index
    %get3A_6 = vector.load %arg3[%get3A_3, %get3A_4, %get3A_5] : memref<2x1000x16xf32, #tpu.memory_space<vmem>>, vector<2x1000x16xf32>
    %slice3A = vector.extract_strided_slice %get3A_2 {offsets = [0, 0, 0], sizes = [1, 1000, 128], strides = [1, 1, 1]} : vector<2x1000x128xf32> to vector<1x1000x128xf32>
    %squeeze3A = vector.shape_cast %slice3A : vector<1x1000x128xf32> to vector<1000x128xf32>
    %slice3A_7 = vector.extract_strided_slice %get3A_2 {offsets = [1, 0, 0], sizes = [1, 1000, 128], strides = [1, 1, 1]} : vector<2x1000x128xf32> to vector<1x1000x128xf32>
    %squeeze3A_8 = vector.shape_cast %slice3A_7 : vector<1x1000x128xf32> to vector<1000x128xf32>
    %add3A = arith.addf %squeeze3A, %squeeze3A_8 : vector<1000x128xf32>
    %slice3A_9 = vector.extract_strided_slice %get3A_6 {offsets = [0, 0, 0], sizes = [1, 1000, 1], strides = [1, 1, 1]} : vector<2x1000x16xf32> to vector<1x1000x1xf32>
    %squeeze3A_10 = vector.shape_cast %slice3A_9 : vector<1x1000x1xf32> to vector<1000x1xf32>
    %slice3A_11 = vector.extract_strided_slice %get3A_6 {offsets = [1, 0, 0], sizes = [1, 1000, 1], strides = [1, 1, 1]} : vector<2x1000x16xf32> to vector<1x1000x1xf32>
    %squeeze3A_12 = vector.shape_cast %slice3A_11 : vector<1x1000x1xf32> to vector<1000x1xf32>
    %add3A_13 = arith.addf %squeeze3A_10, %squeeze3A_12 : vector<1000x1xf32>
    %max3A = arith.constant 1.000000e+00 : f32
    %max3A_14 = vector.broadcast %max3A : f32 to vector<1000x1xf32>
    %max3A_15 = arith.maximumf %add3A_13, %max3A_14 : vector<1000x1xf32>
    %div3A = vector.broadcast %max3A_15 : vector<1000x1xf32> to vector<1000x128xf32>
    %div3A_16 = arith.divf %add3A, %div3A : vector<1000x128xf32>
    %get3A_17 = arith.constant 0 : index
    %get3A_18 = arith.constant 0 : index
    %get3A_19 = vector.load %arg1[%get3A_17, %get3A_18] : memref<1000x128xf32, #tpu.memory_space<vmem>>, vector<1000x128xf32>
    %get3A_20 = arith.constant 0 : index
    %get3A_21 = arith.constant 0 : index
    %get3A_22 = vector.load %arg4[%get3A_20, %get3A_21] : memref<128x128xf32, #tpu.memory_space<vmem>>, vector<128x128xf32>
    %dot_general3A = arith.constant dense<0.000000e+00> : vector<1000x128xf32>
    %dot_general3A_23 = tpu.matmul %div3A_16, %get3A_22, %dot_general3A {dimension_numbers = #tpu.dot_dimension_numbers<[1], [0], [0], [1], [0, 0, 1, 1], [], []>, transpose_lhs_hint = false} : vector<1000x128xf32>, vector<128x128xf32>, vector<1000x128xf32> -> vector<1000x128xf32>
    %add3A_24 = arith.addf %get3A_19, %dot_general3A_23 : vector<1000x128xf32>
    %swap3A = arith.constant 0 : index
    %swap3A_25 = arith.constant 0 : index
    %swap3A_26 = vector.load %arg5[%swap3A, %swap3A_25] : memref<1000x128xf32, #tpu.memory_space<vmem>>, vector<1000x128xf32>
    tpu.vector_store %arg5[%swap3A, %swap3A_25], %add3A_24 {strides = array<i32>} : memref<1000x128xf32, #tpu.memory_space<vmem>>, vector<1000x128xf32>,
    return
  }
  func.func @transform_0(%arg0: i32) -> (i32, i32) {
    %c0_i32 = arith.constant 0 : i32
    %c0_i32_0 = arith.constant 0 : i32
    return %arg0, %c0_i32 : i32, i32
  }
  func.func @transform_1(%arg0: i32) -> (i32, i32, i32) {
    %c0_i32 = arith.constant 0 : i32
    %c0_i32_0 = arith.constant 0 : i32
    %c0_i32_1 = arith.constant 0 : i32
    return %c0_i32, %arg0, %c0_i32_0 : i32, i32, i32
  }
  func.func @transform_2(%arg0: i32) -> (i32, i32, i32) {
    %c0_i32 = arith.constant 0 : i32
    %c0_i32_0 = arith.constant 0 : i32
    %c0_i32_1 = arith.constant 0 : i32
    return %c0_i32, %arg0, %c0_i32_0 : i32, i32, i32
  }
  func.func @transform_3(%arg0: i32) -> (i32, i32) {
    %c0_i32 = arith.constant 0 : i32
    %c0_i32_0 = arith.constant 0 : i32
    %c0_i32_1 = arith.constant 0 : i32
    return %c0_i32, %c0_i32_0 : i32, i32
  }
  func.func @transform_4(%arg0: i32) -> (i32, i32) {
    %c0_i32 = arith.constant 0 : i32
    %c0_i32_0 = arith.constant 0 : i32
    return %arg0, %c0_i32 : i32, i32
  }
}

</mosaic_0001>

<sc_bundles>
// kernel: kernel.5.cloned.1.call-start
scs
__scs_entry_jumppad:
0x0: {  	(pc) =	sbr.rel $0x88, $3  }
0x1: {  	(tag) =	ssettag $0x0;
	lr =	simm.s32 $0x1  }
0x2: {  	[smem:$0x3F9C] =	sst lr;
	_ =	strace $0xD0000000  }
0x3: {  	_ = 	snop  }
0x4: {  	_ = 	snop  }
0x5: {  	_ = 	snop  }
0x6: {  	_ = 	snop  }
0x7: {  	_ = 	snop  }
__scs_overlays_trampoline_lowered:
0x8: {  	[smem:$0x3FAB] =	sst s0  }
0x9: {  	[smem:$0x3FAC] =	sst s1  }
0xa: {  	[smem:$0x3FAD] =	sst s2  }
0xb: {  	[smem:$0x3FAE] =	sst s3  }
0xc: {  	[smem:$0x3FAF] =	sst s4  }
0xd: {  	[smem:$0x3FB0] =	sst s5  }
0xe: {  	[smem:$0x3FB1] =	sst s6  }
0xf: {  	[smem:$0x3FB2] =	sst s7  }
0x10: {  	[smem:$0x3FB3] =	sst s8  }
0x11: {  	[smem:$0x3FB4] =	sst s9;
	s0 =	simm.s32 @!p0 $0x0  }
0x12: {  	s1 =	sld [smem:$0x3F9A];
	s0 =	simm.s32 @p0 $0x1  }
0x13: {  	[smem:$0x3FB5] =	sst s0;
	s0 =	simm.s32 @!p1 $0x0  }
0x14: {  	s2 =	sld [smem:$0x3F99];
	s0 =	simm.s32 @p1 $0x1  }
0x15: {  	[smem:$0x3FB6] =	sst s0;
	s0 =	simm.s32 @!p2 $0x0  }
0x16: {  	s3 =	sld [smem:$0x3FDB];
	s0 =	simm.s32 @p2 $0x1  }
0x17: {  	s4 =	simm.s32 $0x1BF5;
	[smem:$0x3FB8] =	sst s0  }
0x18: {  	s0 =	sld [smem:$0x3F9B];
	_ =	swait.ge [sflag:s4], $0x0  }
0x19: {  	s7 =	sld [smem:$0x3F9C]  }
0x1a: {  	s8 =	sadd.s32 $0xFFFFE003, lr  }
0x1b: {  	s9 =	sadd.s32 $0xFFFFFEF7, lr;
	s5 =	simm.s32 $0xFFFFFFFF;
	p2 =	slt.u32 s8, $0xFFFFF086  }
0x1c: {  	p1 =	slt.u32 s9, $0xF7A;
	s5 =	simm.s32 @!p2 $0x0  }
0x1d: {  	s5 =	simm.s32 @p1 $0x1;
	p0 =	seq.s32 s7, s2  }
0x1e: {  	s7 =	smul.u32 @!p0 $0xF7A, s2;
	p2 =	seq.s32 @!p0 s5, $0x0  }
0x1f: {  	s9 =	smul.u32 $0xF7A, s1;
	s8 =	simm.s32 @!p0 $0x1BF5;
	p2 =	por !p2, p0  }
0x20: {  	[sflag:s8] =	ssyncset.s32 @!p0 $0xFFFFF086;
	s6 =	sadd.s32 @!p0 s3, s7;
	s7 =	simm.s32 @!p0 $0x108  }
0x21: {  	s3 =	sadd.s32 s3, s9;
	s6 =	sadd.s32 @!p0 $0x88, s6;
	s7 =	simm.s32 @p2 $0x1082  }
0x22: {  	[simem:s7], [sflag:s8] =	dma.local @!p0 [hbm:s6], $0xF7A  }
0x23: {  	s9 =	sor.u32 $0xD0000000, s2;
	s6 =	simm.s32 $0x108;
	_ =	swait.ge @!p0 [sflag:s8], $0x0  }
0x24: {  	s3 =	sadd.s32 $0x88, s3;
	s6 =	simm.s32 @!p1 $0x1082;
	[sflag:s4] =	ssyncset.s32 $0xFFFFF086  }
0x25: {  	[simem:s6], [sflag:s4] =	dma.local [hbm:s3], $0xF7A  }
0x26: {  	[smem:$0x3F9C] =	sst s1;
	(tag) =	ssettag s2;
	_ =	strace s9  }
0x27: {  	s1 =	sld [smem:$0x3FAC]  }
0x28: {  	s2 =	sld [smem:$0x3FAD]  }
0x29: {  	s4 =	sld [smem:$0x3FAF]  }
0x2a: {  	p0 =	seq.s32 s5, $0x0;
	s5 =	sld [smem:$0x3FB0]  }
0x2b: {  	s6 =	sld [smem:$0x3FB1]  }
0x2c: {  	s7 =	sld [smem:$0x3FB2]  }
0x2d: {  	s3 =	simm.s32 $0x108;
	s8 =	sld [smem:$0x3FB3]  }
0x2e: {  	s3 =	simm.s32 @!p0 $0x1082;
	s9 =	sld [smem:$0x3FB4]  }
0x2f: {  	lr =	sadd.s32 s0, s3;
	s0 =	sld [smem:$0x3FAB]  }
0x30: {  	s3 =	sld [smem:$0x3FAE]  }
0x31: {  	[smem:$0x3FB7] =	sst s10  }
0x32: {  	s10 =	sld [smem:$0x3FB5];
	_ =	sdelay $0x3  }
0x33: {  	p0 =	seq.s32 s10, $0x1;
	s10 =	sld [smem:$0x3FB7];
	_ =	sdelay $0x3  }
0x34: {  	[smem:$0x3FB7] =	sst s10  }
0x35: {  	s10 =	sld [smem:$0x3FB6];
	_ =	sdelay $0x3  }
0x36: {  	p1 =	seq.s32 s10, $0x1;
	s10 =	sld [smem:$0x3FB7];
	_ =	sdelay $0x3  }
0x37: {  	[smem:$0x3FB7] =	sst s10  }
0x38: {  	s10 =	sld [smem:$0x3FB8]  }
0x39: {  	_ = 	snop;
	(pc) =	sbr.ind lr, $3  }
0x3a: {  	_ = 	snop  }
0x3b: {  	_ = 	snop  }
0x3c: {  	p2 =	seq.s32 s10, $0x1;
	s10 =	sld [smem:$0x3FB7]  }
0x3d: {  	_ =	shalt  }
0x3e: {  	_ =	shalt  }
0x3f: {  	_ =	shalt  }
0x40: {  	_ =	shalt  }
0x41: {  	_ =	shalt  }
0x42: {  	_ =	shalt  }
0x43: {  	_ =	shalt  }
0x44: {  	_ =	shalt  }
0x45: {  	_ =	shalt  }
0x46: {  	_ =	shalt  }
0x47: {  	_ =	shalt  }
0x48: {  	_ =	shalt  }
0x49: {  	_ =	shalt  }
0x4a: {  	_ =	shalt  }
0x4b: {  	_ =	shalt  }
0x4c: {  	_ =	shalt  }
0x4d: {  	_ =	shalt  }
0x4e: {  	_ =	shalt  }
0x4f: {  	_ =	shalt  }
0x50: {  	_ =	shalt  }
0x51: {  	_ =	shalt  }
0x52: {  	_ =	shalt  }
0x53: {  	_ =	shalt  }
0x54: {  	_ =	shalt  }
0x55: {  	_ =	shalt  }
0x56: {  	_ =	shalt  }
0x57: {  	_ =	shalt  }
0x58: {  	_ =	shalt  }
0x59: {  	_ =	shalt  }
0x5a: {  	_ =	shalt  }
0x5b: {  	_ =	shalt  }
0x5c: {  	_ =	shalt  }
0x5d: {  	_ =	shalt  }
0x5e: {  	_ =	shalt  }
0x5f: {  	_ =	shalt  }
0x60: {  	_ =	shalt  }
0x61: {  	_ =	shalt  }
0x62: {  	_ =	shalt  }
0x63: {  	_ =	shalt  }
0x64: {  	_ =	shalt  }
0x65: {  	_ =	shalt  }
0x66: {  	_ =	shalt  }
0x67: {  	_ =	shalt  }
0x68: {  	_ =	shalt  }
0x69: {  	_ =	shalt  }
0x6a: {  	_ =	shalt  }
0x6b: {  	_ =	shalt  }
0x6c: {  	_ =	shalt  }
0x6d: {  	_ =	shalt  }
0x6e: {  	_ =	shalt  }
0x6f: {  	_ =	shalt  }
0x70: {  	_ =	shalt  }
0x71: {  	_ =	shalt  }
0x72: {  	_ =	shalt  }
0x73: {  	_ =	shalt  }
0x74: {  	_ =	shalt  }
0x75: {  	_ =	shalt  }
0x76: {  	_ =	shalt  }
0x77: {  	_ =	shalt  }
0x78: {  	_ =	shalt  }
0x79: {  	_ =	shalt  }
0x7a: {  	_ =	shalt  }
0x7b: {  	_ =	shalt  }
0x7c: {  	_ =	shalt  }
0x7d: {  	_ =	shalt  }
0x7e: {  	_ =	shalt  }
0x7f: {  	_ =	shalt  }
0x80: {  	_ =	shalt  }
0x81: {  	_ =	shalt  }
0x82: {  	_ =	shalt  }
0x83: {  	_ =	shalt  }
0x84: {  	_ =	shalt  }
0x85: {  	_ =	shalt  }
0x86: {  	_ =	shalt  }
0x87: {  	_ =	shalt  }
.Lfunc_end0:
.L_simem_size_0:
called_computation_lowered:
.L_overlay_start_0:
0x88: {  	s2 =	sld [smem:$0x3FD9]  }
0x89: {  	s3 =	sld [smem:$0x3FFE];
	_ =	sdelay $0x1  }
0x8a: {  	s1 =	srdreg.scid  }
0x8b: {  	s0 =	sand.u32 $0x1, s1  }
0x8c: {  	s17 =	sshll.u32 s0, $0xA;
	s2 =	sadd.s32 s3, s2  }
0x8d: {  	s2 =	sadd.s32 s2, s17  }
0x8e: {  	[smem:$0x3FC3] =	sst s2  }
0x8f: {  	_ = 	snop  }
0x90: {  	s2 =	sld [smem:$0x3FC9]  }
0x91: {  	s18 =	sld [smem:$0x3FD0];
	(tm) =	ssettm $0x1  }
0x92: {  	s4 =	sld [smem:$0x3FFB];
	_ =	sdelay $0x3  }
0x93: {  	_ =	strace s4  }
0x94: {  	s4 =	sld [smem:$0x3FFC];
	_ =	sdelay $0x3  }
0x95: {  	_ =	strace s4  }
0x96: {  	s4 =	sld [smem:$0x3FFD];
	_ =	sdelay $0x3  }
0x97: {  	_ =	strace s4  }
0x98: {  	_ =	strace $0x8FFFFFFF  }
0x99: {  	s19 =	sld [smem:$0x3FDB];
	_ =	sdelay $0x1  }
0x9a: {  	s5 =	simm.s32 $_scs_section_size  }
0x9b: {  	s6 =	simm.s32 $_size__tile_overlayer_lowered;
	s7 =	simm.s32 $_tile_overlayer_lowered  }
0x9c: {  	s22 =	simm.s32 $0x1BFF;
	s21 =	sshll.u32 s7, $0x1;
	s4 =	sadd.s32 s5, s19  }
0x9d: {  	s8 =	simm.s32 $0x0;
	s20 =	sshll.u32 s6, $0x1;
	s6 =	sadd.s32 s21, s4  }
0x9e: {  	[timem:s8], [sflag:s22] =	dma.local [hbm:s6], s20  }
0x9f: {  	_ =	swait.ge [sflag:s22], s20  }
0xa0: {  	s5 =	ssub.s32 $0x0, s20;
	[sflag:s22] =	ssyncset.done $0x0  }
0xa1: {  	[sflag:s22] =	ssyncadd.s32 s5;
	_ =	sdelay $0x1  }
0xa2: {  	s23 =	simm.s32 $0x1B8B  }
0xa3: {  	_ =	swait.ge [sflag:s23], $0x1  }
0xa4: {  	[sflag:s23] =	ssyncset.done $0x0  }
0xa5: {  	s25 =	simm.s32 $0x1B8E;
	s24 =	sld [smem:$0x3FFE];
	[sflag:s23] =	ssyncadd.s32 $0xFFFFFFFF  }
0xa6: {  	s26 =	simm.s32 $execute0_lowered;
	[smem:$0x3FD2] =	sst s25  }
0xa7: {  	s6 =	sshll.u32 s26, $0x1;
	_ =	strace $0x80000046;
	[dreg:$0x1] =	wrdreg $0xFFFFFFFF  }
0xa8: {  	s28 =	simm.s32 $_size_execute0_lowered;
	s4 =	sadd.s32 s4, s6;
	[dreg:$0x0] =	wrdreg $0x0  }
0xa9: {  	s6 =	sshll.u32 s28, $0x1;
	[dreg:$0x2] =	wrdreg s4  }
0xaa: {  	[dreg:$0x3] =	wrdreg s6  }
0xab: {  	[dreg:$0x4] =	wrdreg $0xC0  }
0xac: {  	_ =	task [dreg:s8], $0x5FFFF  }
0xad: {  	[dreg:$0x1] =	wrdreg $0xFFFFFFFF  }
0xae: {  	[dreg:$0x0] =	wrdreg $0x60  }
0xaf: {  	[dreg:$0x2] =	wrdreg s2  }
0xb0: {  	[dreg:$0x3] =	wrdreg s18  }
0xb1: {  	[dreg:$0x4] =	wrdreg s24  }
0xb2: {  	[dreg:$0x5] =	wrdreg $0x90D00  }
0xb3: {  	[dreg:$0x6] =	wrdreg $0x1D0D00  }
0xb4: {  	[dreg:$0x7] =	wrdreg $0x9  }
0xb5: {  	_ =	task.clear_ibuf [dreg:s8], $0x8FFFF;
	_ =	strace $0x90000046  }
0xb6: {  	s29 =	simm.s32 $0x9;
	_ =	strace $0x80000048  }
0xb7: {  	_ =	swait.ge [sflag:s29], $0x1  }
0xb8: {  	[sflag:s29] =	ssyncadd.s32 $0xFFFFFFFF  }
0xb9: {  	_ =	strace $0x90000048  }
0xba: {  	_ =	sfence  }
0xbb: {  	s30 =	sld [smem:$0x0];
	_ =	sdelay $0x2  }
0xbc: {  	s31 =	sshll.u32 s1, $0xD;
	s1 =	sshrl.u32 s1, $0x2  }
0xbd: {  	s3 =	sand.u32 $0x4000, s31;
	s1 =	sadd.s32 s1, s30  }
0xbe: {  	s0 =	sor.u32 s3, s0;
	s1 =	sshll.u32 s1, $0x11  }
0xbf: {  	s0 =	sor.u32 s1, s0  }
0xc0: {  	s0 =	sadd.s32 $0x8F2B, s0  }
0xc1: {  	[sflag:s0] =	ssyncadd.remote.s32 $0x1  }
0xc2: {  	_ =	sfence.sel $0xFFFF  }
0xc3: {  	[dreg:$0x0] =	wrdreg $0xFFFFFFFF;
	(pc) =	sbr.abs _section_cstart, $3  }
0xc4: {  	[dreg:$0x1] =	wrdreg $0xFFFFFFFF  }
0xc5: {  	_ =	task.clear_ibuf [dreg:s8], $0x2FFFF;
	_ =	strace $0x9FFFFFFF  }
0xc6: {  	(tm) =	ssettm $0x7FFFFFFF  }
0xc7: {  	_ =	shalt  }
tec
execute0_lowered:
.L_overlay_start_1:
0x0: {  	(tag) =	ssettag $0x1  }
0x1: {  	s1 =	rddreg [dreg:$0x0]  }
0x2: {  	s0 =	rddreg [dreg:$0x1]  }
0x3: {  	s2 =	rddreg [dreg:$0x2];
	s4 =	srdreg.scid  }
0x4: {  	s12 =	stileid.u32;
	s3 =	rddreg [dreg:$0x3];
	s5 =	simm.s32 $0x0  }
0x5: {  	s28 =	simm.s32 $0x3;
	s29 =	simm.s32 $0x2;
	s7 =	smul.u32 $0x280, s12  }
0x6: {  	s30 =	simm.s32 $0x4280;
	s31 =	simm.s32 $0x80;
	s10 =	smul.u32 $0x50000, s12  }
0x7: {  	s6 =	sand.u32 $0x1, s4;
	[smem:$0x7FF] =	sst s5;
	s11 =	smul.u32 $0xA000, s12  }
0x8: {  	s4 =	rddreg [dreg:$0x4];
	s8 =	smul.u32 $0x2800, s6;
	_ =	strace $0x80000047  }
0x9: {  	s9 =	ssub.s32 $0x2, s6;
	s6 =	sshll.u32 s6, $0x4;
	s10 =	sshrl.u32 s10, $0x2  }
0xa: {  	s13 =	sshrl.u32 s9, $0x1;
	s14 =	sor.u32 s12, s6;
	s6 =	sadd.s32 s10, s3  }
0xb: {  	s16 =	sshrl.u32 s11, $0x2;
	s12 =	simm.s32 $0x6;
	s10 =	sadd.s32 $0x3E80, s6  }
0xc: {  	s7 =	sadd.s32 s7, s8;
	s15 =	sadd.s32 $0x7D00, s6;
	[dreg:$0x6] =	wrdreg s10  }
0xd: {  	s11 =	sadd.s32 s16, s4;
	s17 =	sadd.s32 $0xBB80, s6;
	[dreg:$0x7] =	wrdreg s15  }
0xe: {  	s8 =	sshll.u32 s7, $0x4;
	s18 =	sadd.s32 $0xFA00, s6;
	[dreg:$0x8] =	wrdreg s17  }
0xf: {  	s7 =	sshll.u32 s7, $0x1;
	s19 =	sadd.s32 $0x13880, s6;
	[dreg:$0x9] =	wrdreg s18  }
0x10: {  	s20 =	sadd.s32 $0x800, s11;
	s21 =	sadd.s32 $0x1000, s11;
	[dreg:$0xa] =	wrdreg s19  }
0x11: {  	s22 =	sadd.s32 $0x1800, s11;
	s23 =	sadd.s32 $0x2000, s11;
	[dreg:$0xb] =	wrdreg s20  }
0x12: {  	s8 =	sadd.s32 s8, s2;
	s2 =	sadd.s32 s7, s2;
	[dreg:$0xc] =	wrdreg s21  }
0x13: {  	s7 =	ssub.s32 s9, s13;
	s9 =	smul.u32 $0xA00, s14;
	[dreg:$0xd] =	wrdreg s22  }
0x14: {  	[dreg:$0xe] =	wrdreg s23;
	s21 =	simm.s32 $0x400;
	s22 =	simm.s32 $0x7  }
0x15: {  	s23 =	simm.s32 $0x88D0;
	s10 =	simm.s32 $0x180;
	s13 =	simm.s32 $0x280  }
0x16: {  	s14 =	simm.s32 $0x380;
	s15 =	simm.s32 $0x0;
	s24 =	sadd.s32 $0xB800, s8  }
.Ltmp0:
0x17: {  	s25 =	sadd.s32 $0x1800, s2;
	s26 =	smax.u32 s7, $0x1;
	(pc) =	sbr.rel .LBB2_1-.Ltmp0, $4  }
0x18: {  	s2 =	simm.s32 $0x8100;
	s7 =	simm.s32 $0x4;
	[dreg:$0xf] =	wrdreg s24  }
0x19: {  	s8 =	simm.s32 $0x5;
	s17 =	sadd.s32 s0, s9;
	[dreg:$0x10] =	wrdreg s25  }
0x1a: {  	[dreg:$0x11] =	wrdreg s26;
	s24 =	simm.s32 $0x100;
	s25 =	simm.s32 $0x200  }
0x1b: {  	v0 =	vimm.f32 $0.0e+00;
	v1 =	vimm.f32 $1.000000000e+00;
	s26 =	simm.s32 $0x7D;
	s0 =	simm.s32 $0x300;
	s9 =	simm.s32 $0x1  }
.LBB2_8:
0x1c: {  	_ =	swait.ge [sflag:s7], $0x3E80  }
0x1d: {  	[sflag:s7] =	ssyncset.done $0x0  }
0x1e: {  	[sflag:s7] =	ssyncadd.s32 $0xFFFFC180  }
0x1f: {  	_ =	swait.ge [sflag:s8], $0x3E80  }
0x20: {  	[sflag:s8] =	ssyncset.done $0x0  }
0x21: {  	[sflag:s8] =	ssyncadd.s32 $0xFFFFC180  }
0x22: {  	_ =	swait.ge [sflag:s8], $0x7D0  }
0x23: {  	[sflag:s8] =	ssyncset.done $0x0  }
0x24: {  	[sflag:s8] =	ssyncadd.s32 $0xFFFFF830  }
0x25: {  	[spmem:s3] =	stream.indirect.scatter.add.f32 [tilespmem:s30], [sflag:$0x6], $0x80, s14, s26, $0xb8;
	[tilespmem:$0x1F8D0] =	vst v63  }
0x26: {  	_ = 	snop  }
0x27: {  	[spmem:s4] =	stream.indirect.scatter.add.f32 [tilespmem:s2], [sflag:$0x6], $0x10, s14, s26, $0xb8;
	[tilespmem:$0x1F8D0] =	vst v63  }
0x28: {  	_ =	swait.ge [sflag:s12], $0x3E80  }
0x29: {  	[sflag:s12] =	ssyncset.done $0x0  }
0x2a: {  	[sflag:s12] =	ssyncadd.s32 $0xFFFFC180  }
0x2b: {  	_ =	swait.ge [sflag:s12], $0x7D0  }
0x2c: {  	[sflag:s12] =	ssyncset.done $0x0  }
0x2d: {  	s16 =	stileid.u32;
	[sflag:s12] =	ssyncadd.s32 $0xFFFFF830  }
0x2e: {  	s16 =	sshll.u32 s16, $0x6;
	[bflag:$0x0] =	sbarrier.arrive $0xFFFF  }
0x2f: {  	s18 =	sshrl.u32 s6, $0x3;
	s16 =	sor.u32 $0x1C07, s16;
	s19 =	rddreg [dreg:$0xf]  }
0x30: {  	[hbm:s19], [sflag:s16] =	dma.local [spmem:s18], $0x2800  }
0x31: {  	_ =	swait.ge [sflag:s22], $0x2800  }
0x32: {  	[sflag:s22] =	ssyncset.done $0x0  }
0x33: {  	s19 =	sshrl.u32 s11, $0x3;
	s20 =	rddreg [dreg:$0x10];
	[sflag:s22] =	ssyncadd.s32 $0xFFFFD800  }
0x34: {  	[hbm:s20], [sflag:s16] =	dma.local [spmem:s19], $0x500  }
0x35: {  	_ =	swait.ge [sflag:s22], $0x500  }
0x36: {  	s15 =	sadd.s32 $0x1, s15;
	s20 =	rddreg [dreg:$0x11]  }
0x37: {  	p0 =	sne.s32 s15, s20  }
.Ltmp1:
0x38: {  	_ = 	snop;
	(pc) =	sbr.rel @!p0 .LBB2_9-.Ltmp1, $3  }
0x39: {  	_ =	sdelay $0x1  }
0x3a: {  	[sflag:s22] =	ssyncset.done $0x0  }
0x3b: {  	[sflag:s22] =	ssyncadd.s32 $0xFFFFFB00  }
.LBB2_1:
0x3c: {  	s16 =	simm.s32 $0x440  }
0x3d: {  	[tilespmem:s16+$0xFFFFFFD0] =	vst v0  }
0x3e: {  	[tilespmem:s16+$0xFFFFFFE0] =	vst v0  }
0x3f: {  	[tilespmem:s16+$0xFFFFFFF0] =	vst v0  }
0x40: {  	[tilespmem:s16+$0x0] =	vst v0  }
0x41: {  	[tilespmem:s16+$0x10] =	vst v0  }
0x42: {  	[tilespmem:s16+$0x20] =	vst v0  }
0x43: {  	[tilespmem:s16+$0x30] =	vst v0  }
0x44: {  	s19 =	simm.s32 $0x0;
	s18 =	simm.s32 $0x40;
	[tilespmem:s16+$0xFFFFFFC0] =	vst v0  }
.LBB2_2:
0x45: {  	p0 =	sne.s32 s18, $0x1F00;
	[tilespmem:s19+$0x8100] =	vst v1;
	s16 =	sadd.s32 $0x80, s16  }
0x46: {  	[tilespmem:s16+$0xFFFFFFD0] =	vst v0  }
0x47: {  	[tilespmem:s16+$0xFFFFFFE0] =	vst v0  }
0x48: {  	[tilespmem:s16+$0xFFFFFFF0] =	vst v0  }
.Ltmp2:
0x49: {  	[tilespmem:s16+$0x0] =	vst v0;
	(pc) =	sbr.rel @p0 .LBB2_2-.Ltmp2, $4  }
0x4a: {  	[tilespmem:s16+$0x10] =	vst v0  }
0x4b: {  	[tilespmem:s16+$0x20] =	vst v0  }
0x4c: {  	[tilespmem:s16+$0x30] =	vst v0  }
0x4d: {  	s19 =	sshra.s32 s18, $0x2;
	s18 =	sadd.s32 $0x40, s18;
	[tilespmem:s16+$0xFFFFFFC0] =	vst v0  }
0x4e: {  	[tilespmem:s19+$0x8100] =	vst v1;
	s16 =	simm.s32 $0x40;
	s18 =	simm.s32 $0x0  }
.LBB2_4:
0x4f: {  	p0 =	sne.s32 s16, $0x1FC0;
	[tilespmem:s18+$0x88D0] =	vst v0;
	s18 =	smov.u32 s16;
	s16 =	sadd.s32 $0x40, s16  }
.Ltmp3:
0x50: {  	(pc) =	sbr.rel @p0 .LBB2_4-.Ltmp3, $2  }
0x51: {  	_ =	sdelay $0x2  }
0x52: {  	s18 =	sshra.s32 s18, $0x2  }
0x53: {  	[tilespmem:s18+$0x88D0] =	vst v0  }
0x54: {  	[spmem:s6] =	stream.linear.scatter [tilespmem:s21], [sflag:$0x7], $0x3E80, $0x38;
	[tilespmem:$0x1F8D0] =	vst v63  }
0x55: {  	_ =	swait.ge [sflag:s22], $0x3E80  }
0x56: {  	[sflag:s22] =	ssyncset.done $0x0  }
0x57: {  	s16 =	rddreg [dreg:$0x6];
	[sflag:s22] =	ssyncadd.s32 $0xFFFFC180  }
0x58: {  	[spmem:s16] =	stream.linear.scatter [tilespmem:s21], [sflag:$0x7], $0x3E80, $0x38;
	[tilespmem:$0x1F8D0] =	vst v63  }
0x59: {  	_ =	swait.ge [sflag:s22], $0x3E80  }
0x5a: {  	[sflag:s22] =	ssyncset.done $0x0  }
0x5b: {  	s20 =	rddreg [dreg:$0x7];
	[sflag:s22] =	ssyncadd.s32 $0xFFFFC180  }
0x5c: {  	[spmem:s20] =	stream.linear.scatter [tilespmem:s21], [sflag:$0x7], $0x3E80, $0x38;
	[tilespmem:$0x1F8D0] =	vst v63  }
0x5d: {  	_ =	swait.ge [sflag:s22], $0x3E80  }
0x5e: {  	[sflag:s22] =	ssyncset.done $0x0  }
0x5f: {  	s18 =	rddreg [dreg:$0x8];
	[sflag:s22] =	ssyncadd.s32 $0xFFFFC180  }
0x60: {  	[spmem:s18] =	stream.linear.scatter [tilespmem:s21], [sflag:$0x7], $0x3E80, $0x38;
	[tilespmem:$0x1F8D0] =	vst v63  }
0x61: {  	_ =	swait.ge [sflag:s22], $0x3E80  }
0x62: {  	[sflag:s22] =	ssyncset.done $0x0  }
0x63: {  	s19 =	rddreg [dreg:$0x9];
	[sflag:s22] =	ssyncadd.s32 $0xFFFFC180  }
0x64: {  	[spmem:s19] =	stream.linear.scatter [tilespmem:s21], [sflag:$0x7], $0x3E80, $0x38;
	[tilespmem:$0x1F8D0] =	vst v63  }
0x65: {  	_ =	swait.ge [sflag:s22], $0x3E80  }
0x66: {  	[sflag:s22] =	ssyncset.done $0x0  }
0x67: {  	s20 =	rddreg [dreg:$0xa];
	[sflag:s22] =	ssyncadd.s32 $0xFFFFC180  }
0x68: {  	[spmem:s20] =	stream.linear.scatter [tilespmem:s21], [sflag:$0x7], $0x780, $0x38;
	[tilespmem:$0x1F8D0] =	vst v63  }
0x69: {  	_ =	swait.ge [sflag:s22], $0x780  }
0x6a: {  	[sflag:s22] =	ssyncset.done $0x0  }
0x6b: {  	[sflag:s22] =	ssyncadd.s32 $0xFFFFF880  }
0x6c: {  	[spmem:s11] =	stream.linear.scatter [tilespmem:s23], [sflag:$0x7], $0x800, $0x38;
	[tilespmem:$0x1F8D0] =	vst v63  }
0x6d: {  	_ =	swait.ge [sflag:s22], $0x800  }
0x6e: {  	[sflag:s22] =	ssyncset.done $0x0  }
0x6f: {  	s18 =	rddreg [dreg:$0xb];
	[sflag:s22] =	ssyncadd.s32 $0xFFFFF800  }
0x70: {  	[spmem:s18] =	stream.linear.scatter [tilespmem:s23], [sflag:$0x7], $0x800, $0x38;
	[tilespmem:$0x1F8D0] =	vst v63  }
0x71: {  	_ =	swait.ge [sflag:s22], $0x800  }
0x72: {  	[sflag:s22] =	ssyncset.done $0x0  }
0x73: {  	s19 =	rddreg [dreg:$0xc];
	[sflag:s22] =	ssyncadd.s32 $0xFFFFF800  }
0x74: {  	[spmem:s19] =	stream.linear.scatter [tilespmem:s23], [sflag:$0x7], $0x800, $0x38;
	[tilespmem:$0x1F8D0] =	vst v63  }
0x75: {  	_ =	swait.ge [sflag:s22], $0x800  }
0x76: {  	[sflag:s22] =	ssyncset.done $0x0  }
0x77: {  	s20 =	rddreg [dreg:$0xd];
	[sflag:s22] =	ssyncadd.s32 $0xFFFFF800  }
0x78: {  	[spmem:s20] =	stream.linear.scatter [tilespmem:s23], [sflag:$0x7], $0x800, $0x38;
	[tilespmem:$0x1F8D0] =	vst v63  }
0x79: {  	_ =	swait.ge [sflag:s22], $0x800  }
0x7a: {  	[sflag:s22] =	ssyncset.done $0x0  }
0x7b: {  	s18 =	rddreg [dreg:$0xe];
	[sflag:s22] =	ssyncadd.s32 $0xFFFFF800  }
0x7c: {  	[spmem:s18] =	stream.linear.scatter [tilespmem:s23], [sflag:$0x7], $0x800, $0x38;
	[tilespmem:$0x1F8D0] =	vst v63  }
0x7d: {  	_ =	swait.ge [sflag:s22], $0x800  }
0x7e: {  	[sflag:s22] =	ssyncset.done $0x0  }
0x7f: {  	[sflag:s22] =	ssyncadd.s32 $0xFFFFF800  }
0x80: {  	s16 =	simm.s32 $0x0;
	[bflag:$0x0] =	sbarrier.arrive $0xFFFF  }
0x81: {  	[tilespmem:s16], [sflag:$0x7] =	stream.linear.gather [hbm4b:s17+s16], $0x100, $0x38;
	[tilespmem:$0x1F8D0] =	vst v63  }
0x82: {  	_ =	swait.ge [sflag:s22], $0x100  }
0x83: {  	[sflag:s22] =	ssyncset.done $0x0  }
0x84: {  	s19 =	sadd.s32 $0x20, s17;
	[sflag:s22] =	ssyncadd.s32 $0xFFFFFF00  }
0x85: {  	[tilespmem:s24], [sflag:$0x2] =	stream.linear.gather [hbm4b:s19+s16], $0x100, $0x38;
	[tilespmem:$0x1F8D0] =	vst v63  }
0x86: {  	s20 =	sadd.s32 $0x40, s17  }
0x87: {  	[tilespmem:s25], [sflag:$0x1] =	stream.linear.gather [hbm4b:s20+s16], $0x100, $0x38;
	[tilespmem:$0x1F8D0] =	vst v63  }
0x88: {  	_ = 	snop  }
0x89: {  	[tilespmem:s21], [sflag:$0x3] =	stream.indirect.gather [hbm4b:s1+s26], $0x80, s16, s26, $0xb8;
	[tilespmem:$0x1F8D0] =	vst v63  }
.LBB2_6:
0x8a: {  	_ =	swait.ge [sflag:s28], $0x3E80  }
0x8b: {  	p0 =	seq.s32 s16, $0x0;
	[sflag:s28] =	ssyncset.done $0x0  }
0x8c: {  	s18 =	simm.s32 @!p0 $0x6;
	[sflag:s28] =	ssyncadd.s32 $0xFFFFC180  }
0x8d: {  	_ =	swait.ge @!p0 [sflag:s18], $0x3E80  }
0x8e: {  	[sflag:s18] =	ssyncset.done @!p0 $0x0  }
0x8f: {  	[sflag:s18] =	ssyncadd.s32 @!p0 $0xFFFFC180  }
0x90: {  	_ =	swait.ge @!p0 [sflag:s18], $0x7D0  }
0x91: {  	[sflag:s18] =	ssyncset.done @!p0 $0x0  }
0x92: {  	[sflag:s18] =	ssyncadd.s32 @!p0 $0xFFFFF830  }
0x93: {  	_ =	swait.ge [sflag:s29], $0x100  }
0x94: {  	[sflag:s29] =	ssyncset.done $0x0  }
0x95: {  	[sflag:s29] =	ssyncadd.s32 $0xFFFFFF00  }
0x96: {  	[tilespmem:s30], [sflag:$0x4] =	stream.indirect.gather [hbm4b:s1+s26], $0x80, s24, s26, $0xb8;
	[tilespmem:$0x1F8D0] =	vst v63  }
0x97: {  	_ = 	snop  }
0x98: {  	[spmem:s3] =	stream.indirect.scatter.add.f32 [tilespmem:s21], [sflag:$0x5], $0x80, s31, s26, $0xb8;
	[tilespmem:$0x1F8D0] =	vst v63  }
0x99: {  	s18 =	sadd.s32 s16, s17  }
0x9a: {  	[spmem:s4] =	stream.indirect.scatter.add.f32 [tilespmem:s2], [sflag:$0x5], $0x10, s31, s26, $0xb8;
	[tilespmem:$0x1F8D0] =	vst v63  }
0x9b: {  	s19 =	sadd.s32 $0x60, s18  }
0x9c: {  	[tilespmem:s0], [sflag:$0x2] =	stream.linear.gather [hbm4b:s19+s5], $0x100, $0x38;
	[tilespmem:$0x1F8D0] =	vst v63  }
0x9d: {  	_ =	swait.ge [sflag:s7], $0x3E80  }
0x9e: {  	[sflag:s7] =	ssyncset.done $0x0  }
0x9f: {  	[sflag:s7] =	ssyncadd.s32 $0xFFFFC180  }
0xa0: {  	_ =	swait.ge [sflag:s8], $0x3E80  }
0xa1: {  	[sflag:s8] =	ssyncset.done $0x0  }
0xa2: {  	[sflag:s8] =	ssyncadd.s32 $0xFFFFC180  }
0xa3: {  	_ =	swait.ge [sflag:s8], $0x7D0  }
0xa4: {  	[sflag:s8] =	ssyncset.done $0x0  }
0xa5: {  	[sflag:s8] =	ssyncadd.s32 $0xFFFFF830  }
0xa6: {  	_ =	swait.ge [sflag:s9], $0x100  }
0xa7: {  	[sflag:s9] =	ssyncset.done $0x0  }
0xa8: {  	[sflag:s9] =	ssyncadd.s32 $0xFFFFFF00  }
0xa9: {  	[tilespmem:s21], [sflag:$0x3] =	stream.indirect.gather [hbm4b:s1+s26], $0x80, s25, s26, $0xb8;
	[tilespmem:$0x1F8D0] =	vst v63  }
0xaa: {  	p0 =	seq.s32 s16, $0x980  }
0xab: {  	[spmem:s3] =	stream.indirect.scatter.add.f32 [tilespmem:s30], [sflag:$0x6], $0x80, s10, s26, $0xb8;
	[tilespmem:$0x1F8D0] =	vst v63  }
0xac: {  	s19 =	sadd.s32 @!p0 s16, s17  }
0xad: {  	[spmem:s4] =	stream.indirect.scatter.add.f32 [tilespmem:s2], [sflag:$0x6], $0x10, s10, s26, $0xb8;
	[tilespmem:$0x1F8D0] =	vst v63  }
0xae: {  	s20 =	simm.s32 @!p0 $0x0;
	s19 =	sadd.s32 @!p0 $0x80, s19  }
0xaf: {  	[tilespmem:s20], [sflag:$0x1] =	stream.linear.gather @!p0 [hbm4b:s19+s20], $0x100, $0x38;
	[tilespmem:$0x1F8D0] =	vst v63  }
0xb0: {  	_ =	swait.ge [sflag:s28], $0x3E80  }
0xb1: {  	[sflag:s28] =	ssyncset.done $0x0  }
0xb2: {  	[sflag:s28] =	ssyncadd.s32 $0xFFFFC180  }
0xb3: {  	_ =	swait.ge [sflag:s12], $0x3E80  }
0xb4: {  	[sflag:s12] =	ssyncset.done $0x0  }
0xb5: {  	[sflag:s12] =	ssyncadd.s32 $0xFFFFC180  }
0xb6: {  	_ =	swait.ge [sflag:s12], $0x7D0  }
0xb7: {  	[sflag:s12] =	ssyncset.done $0x0  }
0xb8: {  	[sflag:s12] =	ssyncadd.s32 $0xFFFFF830  }
0xb9: {  	_ =	swait.ge [sflag:s29], $0x100  }
0xba: {  	[sflag:s29] =	ssyncset.done $0x0  }
0xbb: {  	[sflag:s29] =	ssyncadd.s32 $0xFFFFFF00  }
0xbc: {  	[tilespmem:s30], [sflag:$0x4] =	stream.indirect.gather [hbm4b:s1+s26], $0x80, s0, s26, $0xb8;
	[tilespmem:$0x1F8D0] =	vst v63  }
.Ltmp4:
0xbd: {  	_ = 	snop;
	(pc) =	sbr.rel @p0 .LBB2_8-.Ltmp4, $4  }
0xbe: {  	_ = 	snop  }
0xbf: {  	[spmem:s3] =	stream.indirect.scatter.add.f32 [tilespmem:s21], [sflag:$0x5], $0x80, s13, s26, $0xb8;
	[tilespmem:$0x1F8D0] =	vst v63  }
0xc0: {  	_ = 	snop  }
0xc1: {  	[spmem:s4] =	stream.indirect.scatter.add.f32 [tilespmem:s2], [sflag:$0x5], $0x10, s13, s26, $0xb8;
	[tilespmem:$0x1F8D0] =	vst v63  }
0xc2: {  	s19 =	sadd.s32 $0xA0, s18  }
0xc3: {  	[tilespmem:s24], [sflag:$0x2] =	stream.linear.gather [hbm4b:s19+s5], $0x100, $0x38;
	[tilespmem:$0x1F8D0] =	vst v63  }
0xc4: {  	_ =	swait.ge [sflag:s7], $0x3E80  }
0xc5: {  	[sflag:s7] =	ssyncset.done $0x0  }
0xc6: {  	[sflag:s7] =	ssyncadd.s32 $0xFFFFC180  }
0xc7: {  	_ =	swait.ge [sflag:s8], $0x3E80  }
0xc8: {  	[sflag:s8] =	ssyncset.done $0x0  }
0xc9: {  	[sflag:s8] =	ssyncadd.s32 $0xFFFFC180  }
0xca: {  	_ =	swait.ge [sflag:s8], $0x7D0  }
0xcb: {  	[sflag:s8] =	ssyncset.done $0x0  }
0xcc: {  	[sflag:s8] =	ssyncadd.s32 $0xFFFFF830  }
0xcd: {  	_ =	swait.ge [sflag:s9], $0x100  }
0xce: {  	[sflag:s9] =	ssyncset.done $0x0  }
0xcf: {  	[sflag:s9] =	ssyncadd.s32 $0xFFFFFF00  }
0xd0: {  	[tilespmem:s21], [sflag:$0x3] =	stream.indirect.gather [hbm4b:s1+s26], $0x80, s5, s26, $0xb8;
	[tilespmem:$0x1F8D0] =	vst v63  }
0xd1: {  	_ = 	snop  }
0xd2: {  	[spmem:s3] =	stream.indirect.scatter.add.f32 [tilespmem:s30], [sflag:$0x6], $0x80, s14, s26, $0xb8;
	[tilespmem:$0x1F8D0] =	vst v63  }
.Ltmp5:
0xd3: {  	_ = 	snop;
	(pc) =	sbr.rel .LBB2_6-.Ltmp5, $4  }
0xd4: {  	_ = 	snop  }
0xd5: {  	[spmem:s4] =	stream.indirect.scatter.add.f32 [tilespmem:s2], [sflag:$0x6], $0x10, s14, s26, $0xb8;
	[tilespmem:$0x1F8D0] =	vst v63  }
0xd6: {  	s20 =	sadd.s32 $0xC0, s18;
	s16 =	sadd.s32 $0x80, s16  }
0xd7: {  	[tilespmem:s25], [sflag:$0x1] =	stream.linear.gather [hbm4b:s20+s5], $0x100, $0x38;
	[tilespmem:$0x1F8D0] =	vst v63  }
.LBB2_9:
0xd8: {  	_ =	sfence.sel $0x180000  }
0xd9: {  	[bflag:$0x0] =	sbarrier.arrive $0xFFFF  }
0xda: {  	_ =	strace $0x90000047  }
0xdb: {  	s0 =	stileid.u32;
	[bflag:$0x2] =	sbarrier.arrive $0xFFFF  }
0xdc: {  	p0 =	sne.s32 s0, $0x0;
	s0 =	rddreg [dreg:$0x5]  }
0xdd: {  	s0 =	sadd.s32 @!p0 $0x100000, s0  }
0xde: {  	[sflag:s0] =	ssyncadd.tile.s32 @!p0 $0x1;
	_ =	shalt  }
.Lfunc_end2:
_tile_overlayer_lowered:
.L_overlay_start_2:
0xdf: {  	(tag) =	ssettag $0x2  }
0xe0: {  	s0 =	rddreg [dreg:$0x0];
	s2 =	stileid.u32  }
0xe1: {  	s1 =	rddreg [dreg:$0x1];
	p0 =	sne.s32 s2, $0x0  }
0xe2: {  	s3 =	rddreg [dreg:$0x2];
	[bflag:$0x3] =	sbarrier.arrive $0xFFFF;
	s2 =	simm.s32 @!p0 $0x1C07  }
0xe3: {  	[timem:s3], [sflag:s2] =	dma.local @!p0 [hbm:s0], s1  }
0xe4: {  	s0 =	simm.s32 @!p0 $0x7  }
0xe5: {  	_ =	swait.ge @!p0 [sflag:s0], s1  }
0xe6: {  	s1 =	ssub.s32 @!p0 $0x0, s1;
	[sflag:s0] =	ssyncset.done @!p0 $0x0  }
0xe7: {  	[sflag:s0] =	ssyncadd.s32 @!p0 s1  }
0xe8: {  	[bflag:$0x3] =	sbarrier.arrive $0xFFFF  }
0xe9: {  	_ =	shalt  }

</sc_bundles>
